<compile_context>
chip_gen: v7x
topology: tpu7x:2x2x1
jax: 0.10.2.dev20260603
libtpu: 0.0.44.dev20260713+nightly
codegen_flags: <defaults>
</compile_context>

<pallas_src>
import functools

import jax
import jax.numpy as jnp
from jax import lax
from jax.experimental import pallas as pl
from jax.experimental.pallas import tpu as pltpu
from jax.experimental.pallas import tpu_sc as plsc

N = 10000
E = 320000
D_IN = 128
D_OUT = 128
NC = 2
NS = 16
NT = NC * NS
CPT = D_OUT // NT
KE = 512
NWIN = -(-E // KE)
NWIN_PAD = -(-NWIN // 2) * 2
E_PAD = NWIN_PAD * KE
NGRP = KE // 16


def _mm_body(x_ref, w_ref, o_ref):
    o_ref[...] = jnp.dot(x_ref[...], w_ref[...],
                         preferred_element_type=jnp.float32)


def _matmul(features, W):
    bm = 1000
    return pl.pallas_call(
        _mm_body,
        grid=(N // bm,),
        in_specs=[
            pl.BlockSpec((bm, D_IN), lambda i: (i, 0)),
            pl.BlockSpec((D_IN, D_OUT), lambda i: (0, 0)),
        ],
        out_specs=pl.BlockSpec((bm, D_OUT), lambda i: (i, 0)),
        out_shape=jax.ShapeDtypeStruct((N, D_OUT), jnp.float32),
    )(features, W)


def _core_ids():
    return lax.axis_index("c"), lax.axis_index("s")


def _sc_spmm(supportT, edata, adj3d):
    mesh = plsc.VectorSubcoreMesh(
        core_axis_name="c", subcore_axis_name="s", num_cores=NC, num_subcores=NS
    )

    @functools.partial(
        pl.kernel,
        out_type=jax.ShapeDtypeStruct((D_OUT, N), jnp.float32),
        mesh=mesh,
        compiler_params=pltpu.CompilerParams(
            use_tc_tiling_on_sc=False, needs_layout_passes=False),
        scratch_types=[
            pltpu.VMEM((CPT, N), jnp.float32),
            pltpu.VMEM((CPT, N), jnp.float32),
            pltpu.VMEM((2, KE), jnp.int32),
            pltpu.VMEM((2, KE), jnp.int32),
            pltpu.VMEM((KE,), jnp.float32),
            pltpu.VMEM((KE,), jnp.float32),
            pltpu.SemaphoreType.DMA,
            pltpu.SemaphoreType.DMA,
        ],
    )
    def spmm(supT_hbm, edata_hbm, adj_hbm, out_hbm,
             supt, acct, ebuf0, ebuf1, abuf0, abuf1, sem0, sem1):
        c, s = _core_ids()
        base = (c * NS + s) * CPT

        pltpu.sync_copy(supT_hbm.at[pl.ds(base, CPT)], supt)
        zero = jnp.zeros((16,), jnp.float32)

        def zcol(i, _):
            for j in range(CPT):
                acct[j, pl.ds(i * 16, 16)] = zero
            return 0

        lax.fori_loop(0, N // 16, zcol, 0)

        bufs = ((ebuf0, abuf0, sem0), (ebuf1, abuf1, sem1))

        def start_edata(w, b):
            eb, ab, se = bufs[b]
            pltpu.async_copy(edata_hbm.at[w], eb, se)
            pltpu.async_copy(adj_hbm.at[w, 0], ab, se)

        def wait_edata(w, b):
            eb, ab, se = bufs[b]
            pltpu.make_async_copy(edata_hbm.at[w], eb, se).wait()
            pltpu.make_async_copy(adj_hbm.at[w, 0], ab, se).wait()

        jvecs = [jnp.full((16,), j, jnp.int32) for j in range(CPT)]

        def process(w, b):
            eb, ab, _ = bufs[b]
            wait_edata(w, b)

            def grp(g, _):
                for h in range(2):
                    gg = g * 2 + h
                    row_v = eb[0, pl.ds(gg * 16, 16)]
                    col_v = eb[1, pl.ds(gg * 16, 16)]
                    adj_v = ab[pl.ds(gg * 16, 16)]
                    vals = [plsc.load_gather(supt, [jvecs[j], col_v])
                            for j in range(CPT)]
                    scaled = [v * adj_v for v in vals]
                    for j in range(CPT):
                        plsc.addupdate_scatter(acct, [jvecs[j], row_v],
                                               scaled[j])
                return 0

            lax.fori_loop(0, NGRP // 2, grp, 0)

            @pl.when(w + 2 < NWIN_PAD)
            def _():
                start_edata(w + 2, b)

        start_edata(0, 0)
        start_edata(1, 1)

        def pair_body(p, _):
            process(2 * p, 0)
            process(2 * p + 1, 1)
            return 0

        lax.fori_loop(0, NWIN_PAD // 2, pair_body, 0)

        def rcol(i, _):
            for j in range(CPT):
                v = acct[j, pl.ds(i * 16, 16)]
                acct[j, pl.ds(i * 16, 16)] = jnp.maximum(v, 0.0)
            return 0

        lax.fori_loop(0, N // 16, rcol, 0)
        pltpu.sync_copy(acct, out_hbm.at[pl.ds(base, CPT)])

    return spmm(supportT, edata, adj3d)


def _pack_edges(edge_index, adj_values):
    pad = E_PAD - E
    row = edge_index[0]
    col = edge_index[1]
    if pad:
        spread = (jnp.arange(pad, dtype=jnp.int32) * 521) % N
        row = jnp.concatenate([row, spread])
        col = jnp.concatenate([col, spread])
        adj_values = jnp.concatenate(
            [adj_values, jnp.zeros((pad,), jnp.float32)]
        )
    packed = jnp.stack(
        [row.reshape(NWIN_PAD, KE), col.reshape(NWIN_PAD, KE)], axis=1
    )
    return packed, adj_values.reshape(NWIN_PAD, 1, KE)


def kernel(features, edge_index, adj_values, W):
    support = _matmul(features, W)
    edata, adj3d = _pack_edges(edge_index, adj_values)
    outT = _sc_spmm(support.T, edata, adj3d)
    return outT.T

# --- scband reference (transcript-rebuilt; emitter-appended) ---
"""Pipeline reference for scband-gnnlayer-8658654069051 (READ-ONLY COPY).

The authoritative reference and input builder live on the scoring server;
editing this copy changes nothing except your own understanding.
"""

import jax, jax.numpy as jnp
import numpy as np

N = 10000
E = 320000
D_IN = 128
D_OUT = 128

def setup_inputs(seed: int = 0) -> dict:
    key = jax.random.key(seed)
    k1, k2, k3, k4 = jax.random.split(key, 4)
    features = jax.random.normal(k1, (N, D_IN), dtype=jnp.float32)
    edge_index = jax.random.randint(k2, (2, E), 0, N, dtype=jnp.int32)
    adj_values = jax.random.uniform(k3, (E,), dtype=jnp.float32)
    # xavier_uniform init for weight [in_features, out_features]
    limit = float(np.sqrt(6.0 / (D_IN + D_OUT)))
    W = jax.random.uniform(k4, (D_IN, D_OUT), dtype=jnp.float32, minval=-limit, maxval=limit)
    return {"features": features, "edge_index": edge_index, "adj_values": adj_values, "W": W}

def reference(features, edge_index, adj_values, W):
    # support = features @ W  (torch.mm)
    support = features @ W
    # output = spmm(adj, support): output[row] += adj_values * support[col]
    row = edge_index[0]
    col = edge_index[1]
    msgs = jnp.take(support, col, axis=0) * adj_values[:, None]
    output = jax.ops.segment_sum(msgs, row, num_segments=N)
    # default activation = ReLU
    return jax.nn.relu(output)

if __name__ == "__main__":
    import jax
    _d = setup_inputs()
    print(jax.jit(kernel)(*tuple(_d.values())))

</pallas_src>

<mosaic_0001>
#map = affine_map<(d0, d1) -> (0, 0)>
#map1 = affine_map<(d0, d1) -> (0, 0, 0)>
module attributes {stable_mosaic.version = 14 : i64} {
  func.func @spmm(%arg0: i32, %arg1: i32, %arg2: memref<128x10000xf32, #tpu.memory_space<hbm>>, %arg3: memref<626x2x512xi32, #tpu.memory_space<hbm>>, %arg4: memref<626x1x512xf32, #tpu.memory_space<hbm>>, %arg5: memref<128x10000xf32, #tpu.memory_space<hbm>>, %arg6: memref<4x10000xf32, #tpu.memory_space<vmem>>, %arg7: memref<4x10000xf32, #tpu.memory_space<vmem>>, %arg8: memref<2x512xi32, #tpu.memory_space<vmem>>, %arg9: memref<2x512xi32, #tpu.memory_space<vmem>>, %arg10: memref<512xf32, #tpu.memory_space<vmem>>, %arg11: memref<512xf32, #tpu.memory_space<vmem>>, %arg12: memref<!tpu.dma_semaphore, #tpu.memory_space<semaphore_mem>>, %arg13: memref<!tpu.dma_semaphore, #tpu.memory_space<semaphore_mem>>) attributes {dimension_semantics = [#tpu.dimension_semantics<core_parallel>, #tpu.dimension_semantics<subcore_parallel>], iteration_bounds = array<i64: 2, 16>, scalar_prefetch = 0 : i64, scratch_operands = 8 : i64, tpu.core_type = #tpu.core_type<sc_vector_subcore>, window_params = [{transform_indices = #map}, {transform_indices = #map1}, {transform_indices = #map1}, {transform_indices = #map}]} {
    %mul3A = arith.constant 16 : i32
    %mul3A_0 = arith.muli %arg0, %mul3A : i32
    %add3A = arith.addi %mul3A_0, %arg1 : i32
    %mul3A_1 = arith.constant 4 : i32
    %mul3A_2 = arith.muli %add3A, %mul3A_1 : i32
    "tpu.region"() ({
      %run_scoped3A = tpu.sem_alloc : memref<!tpu.dma_semaphore, #tpu.memory_space<semaphore_mem>>
      %dma_start3A_65 = arith.constant 0 : i32
      %dma_start3A_66 = tpu.memref_slice %arg2[%mul3A_2, %dma_start3A_65] : memref<128x10000xf32, #tpu.memory_space<hbm>> -> memref<4x10000xf32, #tpu.memory_space<hbm>>
      %dma_start3A_67 = arith.constant 0 : i32
      %dma_start3A_68 = tpu.memref_slice %arg2[%mul3A_2, %dma_start3A_67] : memref<128x10000xf32, #tpu.memory_space<hbm>> -> memref<4x10000xf32, #tpu.memory_space<hbm>>
      tpu.enqueue_dma source(%dma_start3A_68 : memref<4x10000xf32, #tpu.memory_space<hbm>>) target(%arg6 : memref<4x10000xf32, #tpu.memory_space<vmem>>) target_semaphore(%run_scoped3A : memref<!tpu.dma_semaphore, #tpu.memory_space<semaphore_mem>>)
      %dma_wait3A = arith.constant 0 : i32
      %dma_wait3A_69 = tpu.memref_slice %arg2[%mul3A_2, %dma_wait3A] : memref<128x10000xf32, #tpu.memory_space<hbm>> -> memref<4x10000xf32, #tpu.memory_space<hbm>>
      %dma_wait3A_70 = arith.constant 0 : i32
      %dma_wait3A_71 = tpu.memref_slice %arg2[%mul3A_2, %dma_wait3A_70] : memref<128x10000xf32, #tpu.memory_space<hbm>> -> memref<4x10000xf32, #tpu.memory_space<hbm>>
      tpu.wait_dma2 semaphore(%run_scoped3A : memref<!tpu.dma_semaphore, #tpu.memory_space<semaphore_mem>>) src(%dma_wait3A_71 : memref<4x10000xf32, #tpu.memory_space<hbm>>) dst(%arg6 : memref<4x10000xf32, #tpu.memory_space<vmem>>)
      tpu.yield
    }) : () -> ()
    %broadcast_in_dim3A = arith.constant 0.000000e+00 : f32
    %broadcast_in_dim3A_3 = vector.broadcast %broadcast_in_dim3A : f32 to vector<16xf32>
    %scan3A = arith.constant 0 : i32
    %scan3A_4 = arith.constant 0 : i32
    %scan3A_5 = arith.constant 625 : i32
    %scan3A_6 = arith.addi %scan3A_4, %scan3A_5 : i32
    %scan3A_7 = arith.constant 1 : i32
    %scan3A_8 = scf.for %scan3A_65 = %scan3A_4 to %scan3A_6 step %scan3A_7 iter_args(%scan3A_66 = %scan3A) -> (i32)  : i32 {
      %mul3A_67 = arith.constant 16 : i32
      %mul3A_68 = arith.muli %scan3A_65, %mul3A_67 : i32
      %swap3A = arith.constant 0 : i32
      %swap3A_69 = arith.index_cast %swap3A : i32 to index
      %swap3A_70 = arith.index_cast %mul3A_68 : i32 to index
      %swap3A_71 = tpu.vector_load %arg7[%swap3A_69, %swap3A_70] {strides = array<i32>} : memref<4x10000xf32, #tpu.memory_space<vmem>>, vector<16xf32>,
      tpu.vector_store %arg7[%swap3A_69, %swap3A_70], %broadcast_in_dim3A_3 {strides = array<i32>} : memref<4x10000xf32, #tpu.memory_space<vmem>>, vector<16xf32>,
      %mul3A_72 = arith.constant 16 : i32
      %mul3A_73 = arith.muli %scan3A_65, %mul3A_72 : i32
      %swap3A_74 = arith.constant 1 : i32
      %swap3A_75 = arith.index_cast %swap3A_74 : i32 to index
      %swap3A_76 = arith.index_cast %mul3A_73 : i32 to index
      %swap3A_77 = tpu.vector_load %arg7[%swap3A_75, %swap3A_76] {strides = array<i32>} : memref<4x10000xf32, #tpu.memory_space<vmem>>, vector<16xf32>,
      tpu.vector_store %arg7[%swap3A_75, %swap3A_76], %broadcast_in_dim3A_3 {strides = array<i32>} : memref<4x10000xf32, #tpu.memory_space<vmem>>, vector<16xf32>,
      %mul3A_78 = arith.constant 16 : i32
      %mul3A_79 = arith.muli %scan3A_65, %mul3A_78 : i32
      %swap3A_80 = arith.constant 2 : i32
      %swap3A_81 = arith.index_cast %swap3A_80 : i32 to index
      %swap3A_82 = arith.index_cast %mul3A_79 : i32 to index
      %swap3A_83 = tpu.vector_load %arg7[%swap3A_81, %swap3A_82] {strides = array<i32>} : memref<4x10000xf32, #tpu.memory_space<vmem>>, vector<16xf32>,
      tpu.vector_store %arg7[%swap3A_81, %swap3A_82], %broadcast_in_dim3A_3 {strides = array<i32>} : memref<4x10000xf32, #tpu.memory_space<vmem>>, vector<16xf32>,
      %mul3A_84 = arith.constant 16 : i32
      %mul3A_85 = arith.muli %scan3A_65, %mul3A_84 : i32
      %swap3A_86 = arith.constant 3 : i32
      %swap3A_87 = arith.index_cast %swap3A_86 : i32 to index
      %swap3A_88 = arith.index_cast %mul3A_85 : i32 to index
      %swap3A_89 = tpu.vector_load %arg7[%swap3A_87, %swap3A_88] {strides = array<i32>} : memref<4x10000xf32, #tpu.memory_space<vmem>>, vector<16xf32>,
      tpu.vector_store %arg7[%swap3A_87, %swap3A_88], %broadcast_in_dim3A_3 {strides = array<i32>} : memref<4x10000xf32, #tpu.memory_space<vmem>>, vector<16xf32>,
      %scan3A_90 = arith.constant 0 : i32
      scf.yield %scan3A_90 : i32
    }
    %scan3A_9 = arith.constant 625 : i32
    %broadcast_in_dim3A_10 = arith.constant 0 : i32
    %broadcast_in_dim3A_11 = vector.broadcast %broadcast_in_dim3A_10 : i32 to vector<16xi32>
    %broadcast_in_dim3A_12 = arith.constant 1 : i32
    %broadcast_in_dim3A_13 = vector.broadcast %broadcast_in_dim3A_12 : i32 to vector<16xi32>
    %broadcast_in_dim3A_14 = arith.constant 2 : i32
    %broadcast_in_dim3A_15 = vector.broadcast %broadcast_in_dim3A_14 : i32 to vector<16xi32>
    %broadcast_in_dim3A_16 = arith.constant 3 : i32
    %broadcast_in_dim3A_17 = vector.broadcast %broadcast_in_dim3A_16 : i32 to vector<16xi32>
    %dma_start3A = arith.constant 0 : i32
    %dma_start3A_18 = arith.constant 0 : i32
    %dma_start3A_19 = arith.constant 0 : i32
    %dma_start3A_20 = tpu.memref_slice %arg3[%dma_start3A, %dma_start3A_18, %dma_start3A_19] : memref<626x2x512xi32, #tpu.memory_space<hbm>> -> memref<1x2x512xi32, #tpu.memory_space<hbm>>
    %dma_start3A_21 = tpu.memref_squeeze %dma_start3A_20 : memref<1x2x512xi32, #tpu.memory_space<hbm>> -> memref<2x512xi32, #tpu.memory_space<hbm>>
    %dma_start3A_22 = arith.constant 0 : i32
    %dma_start3A_23 = arith.constant 0 : i32
    %dma_start3A_24 = tpu.memref_slice %arg3[%dma_start3A, %dma_start3A_22, %dma_start3A_23] : memref<626x2x512xi32, #tpu.memory_space<hbm>> -> memref<1x2x512xi32, #tpu.memory_space<hbm>>
    %dma_start3A_25 = tpu.memref_squeeze %dma_start3A_24 : memref<1x2x512xi32, #tpu.memory_space<hbm>> -> memref<2x512xi32, #tpu.memory_space<hbm>>
    tpu.enqueue_dma source(%dma_start3A_25 : memref<2x512xi32, #tpu.memory_space<hbm>>) target(%arg8 : memref<2x512xi32, #tpu.memory_space<vmem>>) target_semaphore(%arg12 : memref<!tpu.dma_semaphore, #tpu.memory_space<semaphore_mem>>)
    %dma_start3A_26 = arith.constant 0 : i32
    %dma_start3A_27 = arith.constant 0 : i32
    %dma_start3A_28 = arith.constant 0 : i32
    %dma_start3A_29 = tpu.memref_slice %arg4[%dma_start3A_26, %dma_start3A_27, %dma_start3A_28] : memref<626x1x512xf32, #tpu.memory_space<hbm>> -> memref<1x1x512xf32, #tpu.memory_space<hbm>>
    %dma_start3A_30 = tpu.memref_squeeze %dma_start3A_29 : memref<1x1x512xf32, #tpu.memory_space<hbm>> -> memref<512xf32, #tpu.memory_space<hbm>>
    %dma_start3A_31 = arith.constant 0 : i32
    %dma_start3A_32 = tpu.memref_slice %arg4[%dma_start3A_26, %dma_start3A_27, %dma_start3A_31] : memref<626x1x512xf32, #tpu.memory_space<hbm>> -> memref<1x1x512xf32, #tpu.memory_space<hbm>>
    %dma_start3A_33 = tpu.memref_squeeze %dma_start3A_32 : memref<1x1x512xf32, #tpu.memory_space<hbm>> -> memref<512xf32, #tpu.memory_space<hbm>>
    tpu.enqueue_dma source(%dma_start3A_33 : memref<512xf32, #tpu.memory_space<hbm>>) target(%arg10 : memref<512xf32, #tpu.memory_space<vmem>>) target_semaphore(%arg12 : memref<!tpu.dma_semaphore, #tpu.memory_space<semaphore_mem>>)
    %dma_start3A_34 = arith.constant 1 : i32
    %dma_start3A_35 = arith.constant 0 : i32
    %dma_start3A_36 = arith.constant 0 : i32
    %dma_start3A_37 = tpu.memref_slice %arg3[%dma_start3A_34, %dma_start3A_35, %dma_start3A_36] : memref<626x2x512xi32, #tpu.memory_space<hbm>> -> memref<1x2x512xi32, #tpu.memory_space<hbm>>
    %dma_start3A_38 = tpu.memref_squeeze %dma_start3A_37 : memref<1x2x512xi32, #tpu.memory_space<hbm>> -> memref<2x512xi32, #tpu.memory_space<hbm>>
    %dma_start3A_39 = arith.constant 0 : i32
    %dma_start3A_40 = arith.constant 0 : i32
    %dma_start3A_41 = tpu.memref_slice %arg3[%dma_start3A_34, %dma_start3A_39, %dma_start3A_40] : memref<626x2x512xi32, #tpu.memory_space<hbm>> -> memref<1x2x512xi32, #tpu.memory_space<hbm>>
    %dma_start3A_42 = tpu.memref_squeeze %dma_start3A_41 : memref<1x2x512xi32, #tpu.memory_space<hbm>> -> memref<2x512xi32, #tpu.memory_space<hbm>>
    tpu.enqueue_dma source(%dma_start3A_42 : memref<2x512xi32, #tpu.memory_space<hbm>>) target(%arg9 : memref<2x512xi32, #tpu.memory_space<vmem>>) target_semaphore(%arg13 : memref<!tpu.dma_semaphore, #tpu.memory_space<semaphore_mem>>)
    %dma_start3A_43 = arith.constant 1 : i32
    %dma_start3A_44 = arith.constant 0 : i32
    %dma_start3A_45 = arith.constant 0 : i32
    %dma_start3A_46 = tpu.memref_slice %arg4[%dma_start3A_43, %dma_start3A_44, %dma_start3A_45] : memref<626x1x512xf32, #tpu.memory_space<hbm>> -> memref<1x1x512xf32, #tpu.memory_space<hbm>>
    %dma_start3A_47 = tpu.memref_squeeze %dma_start3A_46 : memref<1x1x512xf32, #tpu.memory_space<hbm>> -> memref<512xf32, #tpu.memory_space<hbm>>
    %dma_start3A_48 = arith.constant 0 : i32
    %dma_start3A_49 = tpu.memref_slice %arg4[%dma_start3A_43, %dma_start3A_44, %dma_start3A_48] : memref<626x1x512xf32, #tpu.memory_space<hbm>> -> memref<1x1x512xf32, #tpu.memory_space<hbm>>
    %dma_start3A_50 = tpu.memref_squeeze %dma_start3A_49 : memref<1x1x512xf32, #tpu.memory_space<hbm>> -> memref<512xf32, #tpu.memory_space<hbm>>
    tpu.enqueue_dma source(%dma_start3A_50 : memref<512xf32, #tpu.memory_space<hbm>>) target(%arg11 : memref<512xf32, #tpu.memory_space<vmem>>) target_semaphore(%arg13 : memref<!tpu.dma_semaphore, #tpu.memory_space<semaphore_mem>>)
    %scan3A_51 = arith.constant 0 : i32
    %scan3A_52 = arith.constant 0 : i32
    %scan3A_53 = arith.constant 313 : i32
    %scan3A_54 = arith.addi %scan3A_52, %scan3A_53 : i32
    %scan3A_55 = arith.constant 1 : i32
    %scan3A_56 = scf.for %scan3A_65 = %scan3A_52 to %scan3A_54 step %scan3A_55 iter_args(%scan3A_66 = %scan3A_51) -> (i32)  : i32 {
      %mul3A_67 = arith.constant 2 : i32
      %mul3A_68 = arith.muli %mul3A_67, %scan3A_65 : i32
      %dma_wait3A = arith.constant 0 : i32
      %dma_wait3A_69 = arith.constant 0 : i32
      %dma_wait3A_70 = tpu.memref_slice %arg3[%mul3A_68, %dma_wait3A, %dma_wait3A_69] : memref<626x2x512xi32, #tpu.memory_space<hbm>> -> memref<1x2x512xi32, #tpu.memory_space<hbm>>
      %dma_wait3A_71 = tpu.memref_squeeze %dma_wait3A_70 : memref<1x2x512xi32, #tpu.memory_space<hbm>> -> memref<2x512xi32, #tpu.memory_space<hbm>>
      %dma_wait3A_72 = arith.constant 0 : i32
      %dma_wait3A_73 = arith.constant 0 : i32
      %dma_wait3A_74 = tpu.memref_slice %arg3[%mul3A_68, %dma_wait3A_72, %dma_wait3A_73] : memref<626x2x512xi32, #tpu.memory_space<hbm>> -> memref<1x2x512xi32, #tpu.memory_space<hbm>>
      %dma_wait3A_75 = tpu.memref_squeeze %dma_wait3A_74 : memref<1x2x512xi32, #tpu.memory_space<hbm>> -> memref<2x512xi32, #tpu.memory_space<hbm>>
      tpu.wait_dma2 semaphore(%arg12 : memref<!tpu.dma_semaphore, #tpu.memory_space<semaphore_mem>>) src(%dma_wait3A_75 : memref<2x512xi32, #tpu.memory_space<hbm>>) dst(%arg8 : memref<2x512xi32, #tpu.memory_space<vmem>>)
      %dma_wait3A_76 = arith.constant 0 : i32
      %dma_wait3A_77 = arith.constant 0 : i32
      %dma_wait3A_78 = tpu.memref_slice %arg4[%mul3A_68, %dma_wait3A_76, %dma_wait3A_77] : memref<626x1x512xf32, #tpu.memory_space<hbm>> -> memref<1x1x512xf32, #tpu.memory_space<hbm>>
      %dma_wait3A_79 = tpu.memref_squeeze %dma_wait3A_78 : memref<1x1x512xf32, #tpu.memory_space<hbm>> -> memref<512xf32, #tpu.memory_space<hbm>>
      %dma_wait3A_80 = arith.constant 0 : i32
      %dma_wait3A_81 = tpu.memref_slice %arg4[%mul3A_68, %dma_wait3A_76, %dma_wait3A_80] : memref<626x1x512xf32, #tpu.memory_space<hbm>> -> memref<1x1x512xf32, #tpu.memory_space<hbm>>
      %dma_wait3A_82 = tpu.memref_squeeze %dma_wait3A_81 : memref<1x1x512xf32, #tpu.memory_space<hbm>> -> memref<512xf32, #tpu.memory_space<hbm>>
      tpu.wait_dma2 semaphore(%arg12 : memref<!tpu.dma_semaphore, #tpu.memory_space<semaphore_mem>>) src(%dma_wait3A_82 : memref<512xf32, #tpu.memory_space<hbm>>) dst(%arg10 : memref<512xf32, #tpu.memory_space<vmem>>)
      %scan3A_83 = arith.constant 0 : i32
      %scan3A_84 = arith.constant 0 : i32
      %scan3A_85 = arith.constant 16 : i32
      %scan3A_86 = arith.addi %scan3A_84, %scan3A_85 : i32
      %scan3A_87 = arith.constant 1 : i32
      %scan3A_88 = scf.for %scan3A_128 = %scan3A_84 to %scan3A_86 step %scan3A_87 iter_args(%scan3A_129 = %scan3A_83) -> (i32)  : i32 {
        %mul3A_130 = arith.constant 2 : i32
        %mul3A_131 = arith.muli %scan3A_128, %mul3A_130 : i32
        %add3A_132 = arith.constant 0 : i32
        %add3A_133 = arith.addi %mul3A_131, %add3A_132 : i32
        %mul3A_134 = arith.constant 16 : i32
        %mul3A_135 = arith.muli %add3A_133, %mul3A_134 : i32
        %get3A = arith.constant 0 : i32
        %get3A_136 = arith.index_cast %get3A : i32 to index
        %get3A_137 = arith.index_cast %mul3A_135 : i32 to index
        %get3A_138 = tpu.vector_load %arg8[%get3A_136, %get3A_137] {strides = array<i32>} : memref<2x512xi32, #tpu.memory_space<vmem>>, vector<16xi32>,
        %mul3A_139 = arith.constant 16 : i32
        %mul3A_140 = arith.muli %add3A_133, %mul3A_139 : i32
        %get3A_141 = arith.constant 1 : i32
        %get3A_142 = arith.index_cast %get3A_141 : i32 to index
        %get3A_143 = arith.index_cast %mul3A_140 : i32 to index
        %get3A_144 = tpu.vector_load %arg8[%get3A_142, %get3A_143] {strides = array<i32>} : memref<2x512xi32, #tpu.memory_space<vmem>>, vector<16xi32>,
        %mul3A_145 = arith.constant 16 : i32
        %mul3A_146 = arith.muli %add3A_133, %mul3A_145 : i32
        %get3A_147 = arith.index_cast %mul3A_146 : i32 to index
        %get3A_148 = tpu.vector_load %arg10[%get3A_147] {strides = array<i32>} : memref<512xf32, #tpu.memory_space<vmem>>, vector<16xf32>,
        %gather3A = tpu.vector_load_idx %arg6[%broadcast_in_dim3A_11, %get3A_144] : memref<4x10000xf32, #tpu.memory_space<vmem>>[vector<16xi32>, vector<16xi32>], vector<16xf32>,
        %gather3A_149 = tpu.vector_load_idx %arg6[%broadcast_in_dim3A_13, %get3A_144] : memref<4x10000xf32, #tpu.memory_space<vmem>>[vector<16xi32>, vector<16xi32>], vector<16xf32>,
        %gather3A_150 = tpu.vector_load_idx %arg6[%broadcast_in_dim3A_15, %get3A_144] : memref<4x10000xf32, #tpu.memory_space<vmem>>[vector<16xi32>, vector<16xi32>], vector<16xf32>,
        %gather3A_151 = tpu.vector_load_idx %arg6[%broadcast_in_dim3A_17, %get3A_144] : memref<4x10000xf32, #tpu.memory_space<vmem>>[vector<16xi32>, vector<16xi32>], vector<16xf32>,
        %mul3A_152 = arith.mulf %gather3A, %get3A_148 : vector<16xf32>
        %mul3A_153 = arith.mulf %gather3A_149, %get3A_148 : vector<16xf32>
        %mul3A_154 = arith.mulf %gather3A_150, %get3A_148 : vector<16xf32>
        %mul3A_155 = arith.mulf %gather3A_151, %get3A_148 : vector<16xf32>
        tpu.vector_store_idx %arg7[%broadcast_in_dim3A_11, %get3A_138], %mul3A_152 {add = true} : memref<4x10000xf32, #tpu.memory_space<vmem>>[vector<16xi32>, vector<16xi32>], vector<16xf32>,
        tpu.vector_store_idx %arg7[%broadcast_in_dim3A_13, %get3A_138], %mul3A_153 {add = true} : memref<4x10000xf32, #tpu.memory_space<vmem>>[vector<16xi32>, vector<16xi32>], vector<16xf32>,
        tpu.vector_store_idx %arg7[%broadcast_in_dim3A_15, %get3A_138], %mul3A_154 {add = true} : memref<4x10000xf32, #tpu.memory_space<vmem>>[vector<16xi32>, vector<16xi32>], vector<16xf32>,
        tpu.vector_store_idx %arg7[%broadcast_in_dim3A_17, %get3A_138], %mul3A_155 {add = true} : memref<4x10000xf32, #tpu.memory_space<vmem>>[vector<16xi32>, vector<16xi32>], vector<16xf32>,
        %mul3A_156 = arith.constant 2 : i32
        %mul3A_157 = arith.muli %scan3A_128, %mul3A_156 : i32
        %add3A_158 = arith.constant 1 : i32
        %add3A_159 = arith.addi %mul3A_157, %add3A_158 : i32
        %mul3A_160 = arith.constant 16 : i32
        %mul3A_161 = arith.muli %add3A_159, %mul3A_160 : i32
        %get3A_162 = arith.constant 0 : i32
        %get3A_163 = arith.index_cast %get3A_162 : i32 to index
        %get3A_164 = arith.index_cast %mul3A_161 : i32 to index
        %get3A_165 = tpu.vector_load %arg8[%get3A_163, %get3A_164] {strides = array<i32>} : memref<2x512xi32, #tpu.memory_space<vmem>>, vector<16xi32>,
        %mul3A_166 = arith.constant 16 : i32
        %mul3A_167 = arith.muli %add3A_159, %mul3A_166 : i32
        %get3A_168 = arith.constant 1 : i32
        %get3A_169 = arith.index_cast %get3A_168 : i32 to index
        %get3A_170 = arith.index_cast %mul3A_167 : i32 to index
        %get3A_171 = tpu.vector_load %arg8[%get3A_169, %get3A_170] {strides = array<i32>} : memref<2x512xi32, #tpu.memory_space<vmem>>, vector<16xi32>,
        %mul3A_172 = arith.constant 16 : i32
        %mul3A_173 = arith.muli %add3A_159, %mul3A_172 : i32
        %get3A_174 = arith.index_cast %mul3A_173 : i32 to index
        %get3A_175 = tpu.vector_load %arg10[%get3A_174] {strides = array<i32>} : memref<512xf32, #tpu.memory_space<vmem>>, vector<16xf32>,
        %gather3A_176 = tpu.vector_load_idx %arg6[%broadcast_in_dim3A_11, %get3A_171] : memref<4x10000xf32, #tpu.memory_space<vmem>>[vector<16xi32>, vector<16xi32>], vector<16xf32>,
        %gather3A_177 = tpu.vector_load_idx %arg6[%broadcast_in_dim3A_13, %get3A_171] : memref<4x10000xf32, #tpu.memory_space<vmem>>[vector<16xi32>, vector<16xi32>], vector<16xf32>,
        %gather3A_178 = tpu.vector_load_idx %arg6[%broadcast_in_dim3A_15, %get3A_171] : memref<4x10000xf32, #tpu.memory_space<vmem>>[vector<16xi32>, vector<16xi32>], vector<16xf32>,
        %gather3A_179 = tpu.vector_load_idx %arg6[%broadcast_in_dim3A_17, %get3A_171] : memref<4x10000xf32, #tpu.memory_space<vmem>>[vector<16xi32>, vector<16xi32>], vector<16xf32>,
        %mul3A_180 = arith.mulf %gather3A_176, %get3A_175 : vector<16xf32>
        %mul3A_181 = arith.mulf %gather3A_177, %get3A_175 : vector<16xf32>
        %mul3A_182 = arith.mulf %gather3A_178, %get3A_175 : vector<16xf32>
        %mul3A_183 = arith.mulf %gather3A_179, %get3A_175 : vector<16xf32>
        tpu.vector_store_idx %arg7[%broadcast_in_dim3A_11, %get3A_165], %mul3A_180 {add = true} : memref<4x10000xf32, #tpu.memory_space<vmem>>[vector<16xi32>, vector<16xi32>], vector<16xf32>,
        tpu.vector_store_idx %arg7[%broadcast_in_dim3A_13, %get3A_165], %mul3A_181 {add = true} : memref<4x10000xf32, #tpu.memory_space<vmem>>[vector<16xi32>, vector<16xi32>], vector<16xf32>,
        tpu.vector_store_idx %arg7[%broadcast_in_dim3A_15, %get3A_165], %mul3A_182 {add = true} : memref<4x10000xf32, #tpu.memory_space<vmem>>[vector<16xi32>, vector<16xi32>], vector<16xf32>,
        tpu.vector_store_idx %arg7[%broadcast_in_dim3A_17, %get3A_165], %mul3A_183 {add = true} : memref<4x10000xf32, #tpu.memory_space<vmem>>[vector<16xi32>, vector<16xi32>], vector<16xf32>,
        %scan3A_184 = arith.constant 0 : i32
        scf.yield %scan3A_184 : i32
      }
      %scan3A_89 = arith.constant 16 : i32
      %add3A_90 = arith.constant 2 : i32
      %add3A_91 = arith.addi %mul3A_68, %add3A_90 : i32
      %lt3A = arith.constant 626 : i32
      %lt3A_92 = arith.cmpi slt, %add3A_91, %lt3A : i32
      %convert_element_type3A = arith.extui %lt3A_92 : i1 to i32
      %cond3A = arith.constant 0 : i32
      %cond3A_93 = arith.cmpi ne, %convert_element_type3A, %cond3A : i32
      scf.if %cond3A_93 {
        %add3A_128 = arith.constant 2 : i32
        %add3A_129 = arith.addi %mul3A_68, %add3A_128 : i32
        %dma_start3A_130 = arith.constant 0 : i32
        %dma_start3A_131 = arith.constant 0 : i32
        %dma_start3A_132 = tpu.memref_slice %arg3[%add3A_129, %dma_start3A_130, %dma_start3A_131] : memref<626x2x512xi32, #tpu.memory_space<hbm>> -> memref<1x2x512xi32, #tpu.memory_space<hbm>>
        %dma_start3A_133 = tpu.memref_squeeze %dma_start3A_132 : memref<1x2x512xi32, #tpu.memory_space<hbm>> -> memref<2x512xi32, #tpu.memory_space<hbm>>
        %dma_start3A_134 = arith.constant 0 : i32
        %dma_start3A_135 = arith.constant 0 : i32
        %dma_start3A_136 = tpu.memref_slice %arg3[%add3A_129, %dma_start3A_134, %dma_start3A_135] : memref<626x2x512xi32, #tpu.memory_space<hbm>> -> memref<1x2x512xi32, #tpu.memory_space<hbm>>
        %dma_start3A_137 = tpu.memref_squeeze %dma_start3A_136 : memref<1x2x512xi32, #tpu.memory_space<hbm>> -> memref<2x512xi32, #tpu.memory_space<hbm>>
        tpu.enqueue_dma source(%dma_start3A_137 : memref<2x512xi32, #tpu.memory_space<hbm>>) target(%arg8 : memref<2x512xi32, #tpu.memory_space<vmem>>) target_semaphore(%arg12 : memref<!tpu.dma_semaphore, #tpu.memory_space<semaphore_mem>>)
        %dma_start3A_138 = arith.constant 0 : i32
        %dma_start3A_139 = arith.constant 0 : i32
        %dma_start3A_140 = tpu.memref_slice %arg4[%add3A_129, %dma_start3A_138, %dma_start3A_139] : memref<626x1x512xf32, #tpu.memory_space<hbm>> -> memref<1x1x512xf32, #tpu.memory_space<hbm>>
        %dma_start3A_141 = tpu.memref_squeeze %dma_start3A_140 : memref<1x1x512xf32, #tpu.memory_space<hbm>> -> memref<512xf32, #tpu.memory_space<hbm>>
        %dma_start3A_142 = arith.constant 0 : i32
        %dma_start3A_143 = tpu.memref_slice %arg4[%add3A_129, %dma_start3A_138, %dma_start3A_142] : memref<626x1x512xf32, #tpu.memory_space<hbm>> -> memref<1x1x512xf32, #tpu.memory_space<hbm>>
        %dma_start3A_144 = tpu.memref_squeeze %dma_start3A_143 : memref<1x1x512xf32, #tpu.memory_space<hbm>> -> memref<512xf32, #tpu.memory_space<hbm>>
        tpu.enqueue_dma source(%dma_start3A_144 : memref<512xf32, #tpu.memory_space<hbm>>) target(%arg10 : memref<512xf32, #tpu.memory_space<vmem>>) target_semaphore(%arg12 : memref<!tpu.dma_semaphore, #tpu.memory_space<semaphore_mem>>)
      } else {
      }
      %mul3A_94 = arith.constant 2 : i32
      %mul3A_95 = arith.muli %mul3A_94, %scan3A_65 : i32
      %add3A_96 = arith.constant 1 : i32
      %add3A_97 = arith.addi %mul3A_95, %add3A_96 : i32
      %dma_wait3A_98 = arith.constant 0 : i32
      %dma_wait3A_99 = arith.constant 0 : i32
      %dma_wait3A_100 = tpu.memref_slice %arg3[%add3A_97, %dma_wait3A_98, %dma_wait3A_99] : memref<626x2x512xi32, #tpu.memory_space<hbm>> -> memref<1x2x512xi32, #tpu.memory_space<hbm>>
      %dma_wait3A_101 = tpu.memref_squeeze %dma_wait3A_100 : memref<1x2x512xi32, #tpu.memory_space<hbm>> -> memref<2x512xi32, #tpu.memory_space<hbm>>
      %dma_wait3A_102 = arith.constant 0 : i32
      %dma_wait3A_103 = arith.constant 0 : i32
      %dma_wait3A_104 = tpu.memref_slice %arg3[%add3A_97, %dma_wait3A_102, %dma_wait3A_103] : memref<626x2x512xi32, #tpu.memory_space<hbm>> -> memref<1x2x512xi32, #tpu.memory_space<hbm>>
      %dma_wait3A_105 = tpu.memref_squeeze %dma_wait3A_104 : memref<1x2x512xi32, #tpu.memory_space<hbm>> -> memref<2x512xi32, #tpu.memory_space<hbm>>
      tpu.wait_dma2 semaphore(%arg13 : memref<!tpu.dma_semaphore, #tpu.memory_space<semaphore_mem>>) src(%dma_wait3A_105 : memref<2x512xi32, #tpu.memory_space<hbm>>) dst(%arg9 : memref<2x512xi32, #tpu.memory_space<vmem>>)
      %dma_wait3A_106 = arith.constant 0 : i32
      %dma_wait3A_107 = arith.constant 0 : i32
      %dma_wait3A_108 = tpu.memref_slice %arg4[%add3A_97, %dma_wait3A_106, %dma_wait3A_107] : memref<626x1x512xf32, #tpu.memory_space<hbm>> -> memref<1x1x512xf32, #tpu.memory_space<hbm>>
      %dma_wait3A_109 = tpu.memref_squeeze %dma_wait3A_108 : memref<1x1x512xf32, #tpu.memory_space<hbm>> -> memref<512xf32, #tpu.memory_space<hbm>>
      %dma_wait3A_110 = arith.constant 0 : i32
      %dma_wait3A_111 = tpu.memref_slice %arg4[%add3A_97, %dma_wait3A_106, %dma_wait3A_110] : memref<626x1x512xf32, #tpu.memory_space<hbm>> -> memref<1x1x512xf32, #tpu.memory_space<hbm>>
      %dma_wait3A_112 = tpu.memref_squeeze %dma_wait3A_111 : memref<1x1x512xf32, #tpu.memory_space<hbm>> -> memref<512xf32, #tpu.memory_space<hbm>>
      tpu.wait_dma2 semaphore(%arg13 : memref<!tpu.dma_semaphore, #tpu.memory_space<semaphore_mem>>) src(%dma_wait3A_112 : memref<512xf32, #tpu.memory_space<hbm>>) dst(%arg11 : memref<512xf32, #tpu.memory_space<vmem>>)
      %scan3A_113 = arith.constant 0 : i32
      %scan3A_114 = arith.constant 0 : i32
      %scan3A_115 = arith.constant 16 : i32
      %scan3A_116 = arith.addi %scan3A_114, %scan3A_115 : i32
      %scan3A_117 = arith.constant 1 : i32
      %scan3A_118 = scf.for %scan3A_128 = %scan3A_114 to %scan3A_116 step %scan3A_117 iter_args(%scan3A_129 = %scan3A_113) -> (i32)  : i32 {
        %mul3A_130 = arith.constant 2 : i32
        %mul3A_131 = arith.muli %scan3A_128, %mul3A_130 : i32
        %add3A_132 = arith.constant 0 : i32
        %add3A_133 = arith.addi %mul3A_131, %add3A_132 : i32
        %mul3A_134 = arith.constant 16 : i32
        %mul3A_135 = arith.muli %add3A_133, %mul3A_134 : i32
        %get3A = arith.constant 0 : i32
        %get3A_136 = arith.index_cast %get3A : i32 to index
        %get3A_137 = arith.index_cast %mul3A_135 : i32 to index
        %get3A_138 = tpu.vector_load %arg9[%get3A_136, %get3A_137] {strides = array<i32>} : memref<2x512xi32, #tpu.memory_space<vmem>>, vector<16xi32>,
        %mul3A_139 = arith.constant 16 : i32
        %mul3A_140 = arith.muli %add3A_133, %mul3A_139 : i32
        %get3A_141 = arith.constant 1 : i32
        %get3A_142 = arith.index_cast %get3A_141 : i32 to index
        %get3A_143 = arith.index_cast %mul3A_140 : i32 to index
        %get3A_144 = tpu.vector_load %arg9[%get3A_142, %get3A_143] {strides = array<i32>} : memref<2x512xi32, #tpu.memory_space<vmem>>, vector<16xi32>,
        %mul3A_145 = arith.constant 16 : i32
        %mul3A_146 = arith.muli %add3A_133, %mul3A_145 : i32
        %get3A_147 = arith.index_cast %mul3A_146 : i32 to index
        %get3A_148 = tpu.vector_load %arg11[%get3A_147] {strides = array<i32>} : memref<512xf32, #tpu.memory_space<vmem>>, vector<16xf32>,
        %gather3A = tpu.vector_load_idx %arg6[%broadcast_in_dim3A_11, %get3A_144] : memref<4x10000xf32, #tpu.memory_space<vmem>>[vector<16xi32>, vector<16xi32>], vector<16xf32>,
        %gather3A_149 = tpu.vector_load_idx %arg6[%broadcast_in_dim3A_13, %get3A_144] : memref<4x10000xf32, #tpu.memory_space<vmem>>[vector<16xi32>, vector<16xi32>], vector<16xf32>,
        %gather3A_150 = tpu.vector_load_idx %arg6[%broadcast_in_dim3A_15, %get3A_144] : memref<4x10000xf32, #tpu.memory_space<vmem>>[vector<16xi32>, vector<16xi32>], vector<16xf32>,
        %gather3A_151 = tpu.vector_load_idx %arg6[%broadcast_in_dim3A_17, %get3A_144] : memref<4x10000xf32, #tpu.memory_space<vmem>>[vector<16xi32>, vector<16xi32>], vector<16xf32>,
        %mul3A_152 = arith.mulf %gather3A, %get3A_148 : vector<16xf32>
        %mul3A_153 = arith.mulf %gather3A_149, %get3A_148 : vector<16xf32>
        %mul3A_154 = arith.mulf %gather3A_150, %get3A_148 : vector<16xf32>
        %mul3A_155 = arith.mulf %gather3A_151, %get3A_148 : vector<16xf32>
        tpu.vector_store_idx %arg7[%broadcast_in_dim3A_11, %get3A_138], %mul3A_152 {add = true} : memref<4x10000xf32, #tpu.memory_space<vmem>>[vector<16xi32>, vector<16xi32>], vector<16xf32>,
        tpu.vector_store_idx %arg7[%broadcast_in_dim3A_13, %get3A_138], %mul3A_153 {add = true} : memref<4x10000xf32, #tpu.memory_space<vmem>>[vector<16xi32>, vector<16xi32>], vector<16xf32>,
        tpu.vector_store_idx %arg7[%broadcast_in_dim3A_15, %get3A_138], %mul3A_154 {add = true} : memref<4x10000xf32, #tpu.memory_space<vmem>>[vector<16xi32>, vector<16xi32>], vector<16xf32>,
        tpu.vector_store_idx %arg7[%broadcast_in_dim3A_17, %get3A_138], %mul3A_155 {add = true} : memref<4x10000xf32, #tpu.memory_space<vmem>>[vector<16xi32>, vector<16xi32>], vector<16xf32>,
        %mul3A_156 = arith.constant 2 : i32
        %mul3A_157 = arith.muli %scan3A_128, %mul3A_156 : i32
        %add3A_158 = arith.constant 1 : i32
        %add3A_159 = arith.addi %mul3A_157, %add3A_158 : i32
        %mul3A_160 = arith.constant 16 : i32
        %mul3A_161 = arith.muli %add3A_159, %mul3A_160 : i32
        %get3A_162 = arith.constant 0 : i32
        %get3A_163 = arith.index_cast %get3A_162 : i32 to index
        %get3A_164 = arith.index_cast %mul3A_161 : i32 to index
        %get3A_165 = tpu.vector_load %arg9[%get3A_163, %get3A_164] {strides = array<i32>} : memref<2x512xi32, #tpu.memory_space<vmem>>, vector<16xi32>,
        %mul3A_166 = arith.constant 16 : i32
        %mul3A_167 = arith.muli %add3A_159, %mul3A_166 : i32
        %get3A_168 = arith.constant 1 : i32
        %get3A_169 = arith.index_cast %get3A_168 : i32 to index
        %get3A_170 = arith.index_cast %mul3A_167 : i32 to index
        %get3A_171 = tpu.vector_load %arg9[%get3A_169, %get3A_170] {strides = array<i32>} : memref<2x512xi32, #tpu.memory_space<vmem>>, vector<16xi32>,
        %mul3A_172 = arith.constant 16 : i32
        %mul3A_173 = arith.muli %add3A_159, %mul3A_172 : i32
        %get3A_174 = arith.index_cast %mul3A_173 : i32 to index
        %get3A_175 = tpu.vector_load %arg11[%get3A_174] {strides = array<i32>} : memref<512xf32, #tpu.memory_space<vmem>>, vector<16xf32>,
        %gather3A_176 = tpu.vector_load_idx %arg6[%broadcast_in_dim3A_11, %get3A_171] : memref<4x10000xf32, #tpu.memory_space<vmem>>[vector<16xi32>, vector<16xi32>], vector<16xf32>,
        %gather3A_177 = tpu.vector_load_idx %arg6[%broadcast_in_dim3A_13, %get3A_171] : memref<4x10000xf32, #tpu.memory_space<vmem>>[vector<16xi32>, vector<16xi32>], vector<16xf32>,
        %gather3A_178 = tpu.vector_load_idx %arg6[%broadcast_in_dim3A_15, %get3A_171] : memref<4x10000xf32, #tpu.memory_space<vmem>>[vector<16xi32>, vector<16xi32>], vector<16xf32>,
        %gather3A_179 = tpu.vector_load_idx %arg6[%broadcast_in_dim3A_17, %get3A_171] : memref<4x10000xf32, #tpu.memory_space<vmem>>[vector<16xi32>, vector<16xi32>], vector<16xf32>,
        %mul3A_180 = arith.mulf %gather3A_176, %get3A_175 : vector<16xf32>
        %mul3A_181 = arith.mulf %gather3A_177, %get3A_175 : vector<16xf32>
        %mul3A_182 = arith.mulf %gather3A_178, %get3A_175 : vector<16xf32>
        %mul3A_183 = arith.mulf %gather3A_179, %get3A_175 : vector<16xf32>
        tpu.vector_store_idx %arg7[%broadcast_in_dim3A_11, %get3A_165], %mul3A_180 {add = true} : memref<4x10000xf32, #tpu.memory_space<vmem>>[vector<16xi32>, vector<16xi32>], vector<16xf32>,
        tpu.vector_store_idx %arg7[%broadcast_in_dim3A_13, %get3A_165], %mul3A_181 {add = true} : memref<4x10000xf32, #tpu.memory_space<vmem>>[vector<16xi32>, vector<16xi32>], vector<16xf32>,
        tpu.vector_store_idx %arg7[%broadcast_in_dim3A_15, %get3A_165], %mul3A_182 {add = true} : memref<4x10000xf32, #tpu.memory_space<vmem>>[vector<16xi32>, vector<16xi32>], vector<16xf32>,
        tpu.vector_store_idx %arg7[%broadcast_in_dim3A_17, %get3A_165], %mul3A_183 {add = true} : memref<4x10000xf32, #tpu.memory_space<vmem>>[vector<16xi32>, vector<16xi32>], vector<16xf32>,
        %scan3A_184 = arith.constant 0 : i32
        scf.yield %scan3A_184 : i32
      }
      %scan3A_119 = arith.constant 16 : i32
      %add3A_120 = arith.constant 2 : i32
      %add3A_121 = arith.addi %add3A_97, %add3A_120 : i32
      %lt3A_122 = arith.constant 626 : i32
      %lt3A_123 = arith.cmpi slt, %add3A_121, %lt3A_122 : i32
      %convert_element_type3A_124 = arith.extui %lt3A_123 : i1 to i32
      %cond3A_125 = arith.constant 0 : i32
      %cond3A_126 = arith.cmpi ne, %convert_element_type3A_124, %cond3A_125 : i32
      scf.if %cond3A_126 {
        %add3A_128 = arith.constant 2 : i32
        %add3A_129 = arith.addi %add3A_97, %add3A_128 : i32
        %dma_start3A_130 = arith.constant 0 : i32
        %dma_start3A_131 = arith.constant 0 : i32
        %dma_start3A_132 = tpu.memref_slice %arg3[%add3A_129, %dma_start3A_130, %dma_start3A_131] : memref<626x2x512xi32, #tpu.memory_space<hbm>> -> memref<1x2x512xi32, #tpu.memory_space<hbm>>
        %dma_start3A_133 = tpu.memref_squeeze %dma_start3A_132 : memref<1x2x512xi32, #tpu.memory_space<hbm>> -> memref<2x512xi32, #tpu.memory_space<hbm>>
        %dma_start3A_134 = arith.constant 0 : i32
        %dma_start3A_135 = arith.constant 0 : i32
        %dma_start3A_136 = tpu.memref_slice %arg3[%add3A_129, %dma_start3A_134, %dma_start3A_135] : memref<626x2x512xi32, #tpu.memory_space<hbm>> -> memref<1x2x512xi32, #tpu.memory_space<hbm>>
        %dma_start3A_137 = tpu.memref_squeeze %dma_start3A_136 : memref<1x2x512xi32, #tpu.memory_space<hbm>> -> memref<2x512xi32, #tpu.memory_space<hbm>>
        tpu.enqueue_dma source(%dma_start3A_137 : memref<2x512xi32, #tpu.memory_space<hbm>>) target(%arg9 : memref<2x512xi32, #tpu.memory_space<vmem>>) target_semaphore(%arg13 : memref<!tpu.dma_semaphore, #tpu.memory_space<semaphore_mem>>)
        %dma_start3A_138 = arith.constant 0 : i32
        %dma_start3A_139 = arith.constant 0 : i32
        %dma_start3A_140 = tpu.memref_slice %arg4[%add3A_129, %dma_start3A_138, %dma_start3A_139] : memref<626x1x512xf32, #tpu.memory_space<hbm>> -> memref<1x1x512xf32, #tpu.memory_space<hbm>>
        %dma_start3A_141 = tpu.memref_squeeze %dma_start3A_140 : memref<1x1x512xf32, #tpu.memory_space<hbm>> -> memref<512xf32, #tpu.memory_space<hbm>>
        %dma_start3A_142 = arith.constant 0 : i32
        %dma_start3A_143 = tpu.memref_slice %arg4[%add3A_129, %dma_start3A_138, %dma_start3A_142] : memref<626x1x512xf32, #tpu.memory_space<hbm>> -> memref<1x1x512xf32, #tpu.memory_space<hbm>>
        %dma_start3A_144 = tpu.memref_squeeze %dma_start3A_143 : memref<1x1x512xf32, #tpu.memory_space<hbm>> -> memref<512xf32, #tpu.memory_space<hbm>>
        tpu.enqueue_dma source(%dma_start3A_144 : memref<512xf32, #tpu.memory_space<hbm>>) target(%arg11 : memref<512xf32, #tpu.memory_space<vmem>>) target_semaphore(%arg13 : memref<!tpu.dma_semaphore, #tpu.memory_space<semaphore_mem>>)
      } else {
      }
      %scan3A_127 = arith.constant 0 : i32
      scf.yield %scan3A_127 : i32
    }
    %scan3A_57 = arith.constant 313 : i32
    %scan3A_58 = arith.constant 0 : i32
    %scan3A_59 = arith.constant 0 : i32
    %scan3A_60 = arith.constant 625 : i32
    %scan3A_61 = arith.addi %scan3A_59, %scan3A_60 : i32
    %scan3A_62 = arith.constant 1 : i32
    %scan3A_63 = scf.for %scan3A_65 = %scan3A_59 to %scan3A_61 step %scan3A_62 iter_args(%scan3A_66 = %scan3A_58) -> (i32)  : i32 {
      %mul3A_67 = arith.constant 16 : i32
      %mul3A_68 = arith.muli %scan3A_65, %mul3A_67 : i32
      %get3A = arith.constant 0 : i32
      %get3A_69 = arith.index_cast %get3A : i32 to index
      %get3A_70 = arith.index_cast %mul3A_68 : i32 to index
      %get3A_71 = tpu.vector_load %arg7[%get3A_69, %get3A_70] {strides = array<i32>} : memref<4x10000xf32, #tpu.memory_space<vmem>>, vector<16xf32>,
      %max3A = arith.constant 0.000000e+00 : f32
      %max3A_72 = vector.broadcast %max3A : f32 to vector<16xf32>
      %max3A_73 = arith.maximumf %get3A_71, %max3A_72 : vector<16xf32>
      %mul3A_74 = arith.constant 16 : i32
      %mul3A_75 = arith.muli %scan3A_65, %mul3A_74 : i32
      %swap3A = arith.constant 0 : i32
      %swap3A_76 = arith.index_cast %swap3A : i32 to index
      %swap3A_77 = arith.index_cast %mul3A_75 : i32 to index
      %swap3A_78 = tpu.vector_load %arg7[%swap3A_76, %swap3A_77] {strides = array<i32>} : memref<4x10000xf32, #tpu.memory_space<vmem>>, vector<16xf32>,
      tpu.vector_store %arg7[%swap3A_76, %swap3A_77], %max3A_73 {strides = array<i32>} : memref<4x10000xf32, #tpu.memory_space<vmem>>, vector<16xf32>,
      %mul3A_79 = arith.constant 16 : i32
      %mul3A_80 = arith.muli %scan3A_65, %mul3A_79 : i32
      %get3A_81 = arith.constant 1 : i32
      %get3A_82 = arith.index_cast %get3A_81 : i32 to index
      %get3A_83 = arith.index_cast %mul3A_80 : i32 to index
      %get3A_84 = tpu.vector_load %arg7[%get3A_82, %get3A_83] {strides = array<i32>} : memref<4x10000xf32, #tpu.memory_space<vmem>>, vector<16xf32>,
      %max3A_85 = arith.constant 0.000000e+00 : f32
      %max3A_86 = vector.broadcast %max3A_85 : f32 to vector<16xf32>
      %max3A_87 = arith.maximumf %get3A_84, %max3A_86 : vector<16xf32>
      %mul3A_88 = arith.constant 16 : i32
      %mul3A_89 = arith.muli %scan3A_65, %mul3A_88 : i32
      %swap3A_90 = arith.constant 1 : i32
      %swap3A_91 = arith.index_cast %swap3A_90 : i32 to index
      %swap3A_92 = arith.index_cast %mul3A_89 : i32 to index
      %swap3A_93 = tpu.vector_load %arg7[%swap3A_91, %swap3A_92] {strides = array<i32>} : memref<4x10000xf32, #tpu.memory_space<vmem>>, vector<16xf32>,
      tpu.vector_store %arg7[%swap3A_91, %swap3A_92], %max3A_87 {strides = array<i32>} : memref<4x10000xf32, #tpu.memory_space<vmem>>, vector<16xf32>,
      %mul3A_94 = arith.constant 16 : i32
      %mul3A_95 = arith.muli %scan3A_65, %mul3A_94 : i32
      %get3A_96 = arith.constant 2 : i32
      %get3A_97 = arith.index_cast %get3A_96 : i32 to index
      %get3A_98 = arith.index_cast %mul3A_95 : i32 to index
      %get3A_99 = tpu.vector_load %arg7[%get3A_97, %get3A_98] {strides = array<i32>} : memref<4x10000xf32, #tpu.memory_space<vmem>>, vector<16xf32>,
      %max3A_100 = arith.constant 0.000000e+00 : f32
      %max3A_101 = vector.broadcast %max3A_100 : f32 to vector<16xf32>
      %max3A_102 = arith.maximumf %get3A_99, %max3A_101 : vector<16xf32>
      %mul3A_103 = arith.constant 16 : i32
      %mul3A_104 = arith.muli %scan3A_65, %mul3A_103 : i32
      %swap3A_105 = arith.constant 2 : i32
      %swap3A_106 = arith.index_cast %swap3A_105 : i32 to index
      %swap3A_107 = arith.index_cast %mul3A_104 : i32 to index
      %swap3A_108 = tpu.vector_load %arg7[%swap3A_106, %swap3A_107] {strides = array<i32>} : memref<4x10000xf32, #tpu.memory_space<vmem>>, vector<16xf32>,
      tpu.vector_store %arg7[%swap3A_106, %swap3A_107], %max3A_102 {strides = array<i32>} : memref<4x10000xf32, #tpu.memory_space<vmem>>, vector<16xf32>,
      %mul3A_109 = arith.constant 16 : i32
      %mul3A_110 = arith.muli %scan3A_65, %mul3A_109 : i32
      %get3A_111 = arith.constant 3 : i32
      %get3A_112 = arith.index_cast %get3A_111 : i32 to index
      %get3A_113 = arith.index_cast %mul3A_110 : i32 to index
      %get3A_114 = tpu.vector_load %arg7[%get3A_112, %get3A_113] {strides = array<i32>} : memref<4x10000xf32, #tpu.memory_space<vmem>>, vector<16xf32>,
      %max3A_115 = arith.constant 0.000000e+00 : f32
      %max3A_116 = vector.broadcast %max3A_115 : f32 to vector<16xf32>
      %max3A_117 = arith.maximumf %get3A_114, %max3A_116 : vector<16xf32>
      %mul3A_118 = arith.constant 16 : i32
      %mul3A_119 = arith.muli %scan3A_65, %mul3A_118 : i32
      %swap3A_120 = arith.constant 3 : i32
      %swap3A_121 = arith.index_cast %swap3A_120 : i32 to index
      %swap3A_122 = arith.index_cast %mul3A_119 : i32 to index
      %swap3A_123 = tpu.vector_load %arg7[%swap3A_121, %swap3A_122] {strides = array<i32>} : memref<4x10000xf32, #tpu.memory_space<vmem>>, vector<16xf32>,
      tpu.vector_store %arg7[%swap3A_121, %swap3A_122], %max3A_117 {strides = array<i32>} : memref<4x10000xf32, #tpu.memory_space<vmem>>, vector<16xf32>,
      %scan3A_124 = arith.constant 0 : i32
      scf.yield %scan3A_124 : i32
    }
    %scan3A_64 = arith.constant 625 : i32
    "tpu.region"() ({
      %run_scoped3A = tpu.sem_alloc : memref<!tpu.dma_semaphore, #tpu.memory_space<semaphore_mem>>
      %dma_start3A_65 = arith.constant 0 : i32
      %dma_start3A_66 = tpu.memref_slice %arg5[%mul3A_2, %dma_start3A_65] : memref<128x10000xf32, #tpu.memory_space<hbm>> -> memref<4x10000xf32, #tpu.memory_space<hbm>>
      %dma_start3A_67 = arith.constant 0 : i32
      %dma_start3A_68 = tpu.memref_slice %arg5[%mul3A_2, %dma_start3A_67] : memref<128x10000xf32, #tpu.memory_space<hbm>> -> memref<4x10000xf32, #tpu.memory_space<hbm>>
      tpu.enqueue_dma source(%arg7 : memref<4x10000xf32, #tpu.memory_space<vmem>>) target(%dma_start3A_68 : memref<4x10000xf32, #tpu.memory_space<hbm>>) target_semaphore(%run_scoped3A : memref<!tpu.dma_semaphore, #tpu.memory_space<semaphore_mem>>)
      %dma_wait3A = arith.constant 0 : i32
      %dma_wait3A_69 = tpu.memref_slice %arg5[%mul3A_2, %dma_wait3A] : memref<128x10000xf32, #tpu.memory_space<hbm>> -> memref<4x10000xf32, #tpu.memory_space<hbm>>
      %dma_wait3A_70 = arith.constant 0 : i32
      %dma_wait3A_71 = tpu.memref_slice %arg5[%mul3A_2, %dma_wait3A_70] : memref<128x10000xf32, #tpu.memory_space<hbm>> -> memref<4x10000xf32, #tpu.memory_space<hbm>>
      tpu.wait_dma2 semaphore(%run_scoped3A : memref<!tpu.dma_semaphore, #tpu.memory_space<semaphore_mem>>) src(%arg7 : memref<4x10000xf32, #tpu.memory_space<vmem>>) dst(%dma_wait3A_71 : memref<4x10000xf32, #tpu.memory_space<hbm>>)
      tpu.yield
    }) : () -> ()
    return
  }
}

module attributes {stable_mosaic.version = 14 : i64} {
  func.func @_mm_body(%arg0: i32, %arg1: memref<1000x128xf32, #tpu.memory_space<vmem>>, %arg2: memref<128x128xf32, #tpu.memory_space<vmem>>, %arg3: memref<1000x128xf32, #tpu.memory_space<vmem>>) attributes {dimension_semantics = [#tpu.dimension_semantics<arbitrary>], iteration_bounds = array<i64: 10>, scalar_prefetch = 0 : i64, scratch_operands = 0 : i64, tpu.core_type = #tpu.core_type<tc>, window_params = [{transform_indices = @transform_0, window_bounds = array<i64: 1000, 128>}, {pipeline_mode = #tpu.pipeline_mode<synchronous>, transform_indices = @transform_1, window_bounds = array<i64: 128, 128>}, {transform_indices = @transform_2, window_bounds = array<i64: 1000, 128>}]} {
    %get3A = arith.constant 0 : index
    %get3A_0 = arith.constant 0 : index
    %get3A_1 = vector.load %arg1[%get3A, %get3A_0] : memref<1000x128xf32, #tpu.memory_space<vmem>>, vector<1000x128xf32>
    %get3A_2 = arith.constant 0 : index
    %get3A_3 = arith.constant 0 : index
    %get3A_4 = vector.load %arg2[%get3A_2, %get3A_3] : memref<128x128xf32, #tpu.memory_space<vmem>>, vector<128x128xf32>
    %dot_general3A = arith.constant dense<0.000000e+00> : vector<1000x128xf32>
    %dot_general3A_5 = tpu.matmul %get3A_1, %get3A_4, %dot_general3A {dimension_numbers = #tpu.dot_dimension_numbers<[1], [0], [0], [1], [0, 0, 1, 1], [], []>, transpose_lhs_hint = false} : vector<1000x128xf32>, vector<128x128xf32>, vector<1000x128xf32> -> vector<1000x128xf32>
    %swap3A = arith.constant 0 : index
    %swap3A_6 = arith.constant 0 : index
    %swap3A_7 = vector.load %arg3[%swap3A, %swap3A_6] : memref<1000x128xf32, #tpu.memory_space<vmem>>, vector<1000x128xf32>
    tpu.vector_store %arg3[%swap3A, %swap3A_6], %dot_general3A_5 {strides = array<i32>} : memref<1000x128xf32, #tpu.memory_space<vmem>>, vector<1000x128xf32>,
    return
  }
  func.func @transform_0(%arg0: i32) -> (i32, i32) {
    %c0_i32 = arith.constant 0 : i32
    %c0_i32_0 = arith.constant 0 : i32
    return %arg0, %c0_i32 : i32, i32
  }
  func.func @transform_1(%arg0: i32) -> (i32, i32) {
    %c0_i32 = arith.constant 0 : i32
    %c0_i32_0 = arith.constant 0 : i32
    %c0_i32_1 = arith.constant 0 : i32
    return %c0_i32, %c0_i32_0 : i32, i32
  }
  func.func @transform_2(%arg0: i32) -> (i32, i32) {
    %c0_i32 = arith.constant 0 : i32
    %c0_i32_0 = arith.constant 0 : i32
    return %arg0, %c0_i32 : i32, i32
  }
}

</mosaic_0001>

<sc_bundles>
// kernel: kernel.4.cloned.1.call-start
scs
__scs_entry_jumppad:
0x0: {  	(pc) =	sbr.rel $0x88, $3  }
0x1: {  	(tag) =	ssettag $0x0;
	lr =	simm.s32 $0x1  }
0x2: {  	[smem:$0x3F9D] =	sst lr;
	_ =	strace $0xD0000000  }
0x3: {  	_ = 	snop  }
0x4: {  	_ = 	snop  }
0x5: {  	_ = 	snop  }
0x6: {  	_ = 	snop  }
0x7: {  	_ = 	snop  }
__scs_overlays_trampoline_lowered:
0x8: {  	[smem:$0x3FAC] =	sst s0  }
0x9: {  	[smem:$0x3FAD] =	sst s1  }
0xa: {  	[smem:$0x3FAE] =	sst s2  }
0xb: {  	[smem:$0x3FAF] =	sst s3  }
0xc: {  	[smem:$0x3FB0] =	sst s4  }
0xd: {  	[smem:$0x3FB1] =	sst s5  }
0xe: {  	[smem:$0x3FB2] =	sst s6  }
0xf: {  	[smem:$0x3FB3] =	sst s7  }
0x10: {  	[smem:$0x3FB4] =	sst s8  }
0x11: {  	[smem:$0x3FB5] =	sst s9;
	s0 =	simm.s32 @!p0 $0x0  }
0x12: {  	s1 =	sld [smem:$0x3F9B];
	s0 =	simm.s32 @p0 $0x1  }
0x13: {  	[smem:$0x3FB6] =	sst s0;
	s0 =	simm.s32 @!p1 $0x0  }
0x14: {  	s2 =	sld [smem:$0x3F9A];
	s0 =	simm.s32 @p1 $0x1  }
0x15: {  	[smem:$0x3FB7] =	sst s0;
	s0 =	simm.s32 @!p2 $0x0  }
0x16: {  	s3 =	sld [smem:$0x3FDB];
	s0 =	simm.s32 @p2 $0x1  }
0x17: {  	s4 =	simm.s32 $0x1BF5;
	[smem:$0x3FB9] =	sst s0  }
0x18: {  	s0 =	sld [smem:$0x3F9C];
	_ =	swait.ge [sflag:s4], $0x0  }
0x19: {  	s7 =	sld [smem:$0x3F9D]  }
0x1a: {  	s8 =	sadd.s32 $0xFFFFE003, lr  }
0x1b: {  	s9 =	sadd.s32 $0xFFFFFEF7, lr;
	s5 =	simm.s32 $0xFFFFFFFF;
	p2 =	slt.u32 s8, $0xFFFFF086  }
0x1c: {  	p1 =	slt.u32 s9, $0xF7A;
	s5 =	simm.s32 @!p2 $0x0  }
0x1d: {  	s5 =	simm.s32 @p1 $0x1;
	p0 =	seq.s32 s7, s2  }
0x1e: {  	s7 =	smul.u32 @!p0 $0xF7A, s2;
	p2 =	seq.s32 @!p0 s5, $0x0  }
0x1f: {  	s9 =	smul.u32 $0xF7A, s1;
	s8 =	simm.s32 @!p0 $0x1BF5;
	p2 =	por !p2, p0  }
0x20: {  	[sflag:s8] =	ssyncset.s32 @!p0 $0xFFFFF086;
	s6 =	sadd.s32 @!p0 s3, s7;
	s7 =	simm.s32 @!p0 $0x108  }
0x21: {  	s3 =	sadd.s32 s3, s9;
	s6 =	sadd.s32 @!p0 $0x88, s6;
	s7 =	simm.s32 @p2 $0x1082  }
0x22: {  	[simem:s7], [sflag:s8] =	dma.local @!p0 [hbm:s6], $0xF7A  }
0x23: {  	s9 =	sor.u32 $0xD0000000, s2;
	s6 =	simm.s32 $0x108;
	_ =	swait.ge @!p0 [sflag:s8], $0x0  }
0x24: {  	s3 =	sadd.s32 $0x88, s3;
	s6 =	simm.s32 @!p1 $0x1082;
	[sflag:s4] =	ssyncset.s32 $0xFFFFF086  }
0x25: {  	[simem:s6], [sflag:s4] =	dma.local [hbm:s3], $0xF7A  }
0x26: {  	[smem:$0x3F9D] =	sst s1;
	(tag) =	ssettag s2;
	_ =	strace s9  }
0x27: {  	s1 =	sld [smem:$0x3FAD]  }
0x28: {  	s2 =	sld [smem:$0x3FAE]  }
0x29: {  	s4 =	sld [smem:$0x3FB0]  }
0x2a: {  	p0 =	seq.s32 s5, $0x0;
	s5 =	sld [smem:$0x3FB1]  }
0x2b: {  	s6 =	sld [smem:$0x3FB2]  }
0x2c: {  	s7 =	sld [smem:$0x3FB3]  }
0x2d: {  	s3 =	simm.s32 $0x108;
	s8 =	sld [smem:$0x3FB4]  }
0x2e: {  	s3 =	simm.s32 @!p0 $0x1082;
	s9 =	sld [smem:$0x3FB5]  }
0x2f: {  	lr =	sadd.s32 s0, s3;
	s0 =	sld [smem:$0x3FAC]  }
0x30: {  	s3 =	sld [smem:$0x3FAF]  }
0x31: {  	[smem:$0x3FB8] =	sst s10  }
0x32: {  	s10 =	sld [smem:$0x3FB6];
	_ =	sdelay $0x3  }
0x33: {  	p0 =	seq.s32 s10, $0x1;
	s10 =	sld [smem:$0x3FB8];
	_ =	sdelay $0x3  }
0x34: {  	[smem:$0x3FB8] =	sst s10  }
0x35: {  	s10 =	sld [smem:$0x3FB7];
	_ =	sdelay $0x3  }
0x36: {  	p1 =	seq.s32 s10, $0x1;
	s10 =	sld [smem:$0x3FB8];
	_ =	sdelay $0x3  }
0x37: {  	[smem:$0x3FB8] =	sst s10  }
0x38: {  	s10 =	sld [smem:$0x3FB9]  }
0x39: {  	_ = 	snop;
	(pc) =	sbr.ind lr, $3  }
0x3a: {  	_ = 	snop  }
0x3b: {  	_ = 	snop  }
0x3c: {  	p2 =	seq.s32 s10, $0x1;
	s10 =	sld [smem:$0x3FB8]  }
0x3d: {  	_ =	shalt  }
0x3e: {  	_ =	shalt  }
0x3f: {  	_ =	shalt  }
0x40: {  	_ =	shalt  }
0x41: {  	_ =	shalt  }
0x42: {  	_ =	shalt  }
0x43: {  	_ =	shalt  }
0x44: {  	_ =	shalt  }
0x45: {  	_ =	shalt  }
0x46: {  	_ =	shalt  }
0x47: {  	_ =	shalt  }
0x48: {  	_ =	shalt  }
0x49: {  	_ =	shalt  }
0x4a: {  	_ =	shalt  }
0x4b: {  	_ =	shalt  }
0x4c: {  	_ =	shalt  }
0x4d: {  	_ =	shalt  }
0x4e: {  	_ =	shalt  }
0x4f: {  	_ =	shalt  }
0x50: {  	_ =	shalt  }
0x51: {  	_ =	shalt  }
0x52: {  	_ =	shalt  }
0x53: {  	_ =	shalt  }
0x54: {  	_ =	shalt  }
0x55: {  	_ =	shalt  }
0x56: {  	_ =	shalt  }
0x57: {  	_ =	shalt  }
0x58: {  	_ =	shalt  }
0x59: {  	_ =	shalt  }
0x5a: {  	_ =	shalt  }
0x5b: {  	_ =	shalt  }
0x5c: {  	_ =	shalt  }
0x5d: {  	_ =	shalt  }
0x5e: {  	_ =	shalt  }
0x5f: {  	_ =	shalt  }
0x60: {  	_ =	shalt  }
0x61: {  	_ =	shalt  }
0x62: {  	_ =	shalt  }
0x63: {  	_ =	shalt  }
0x64: {  	_ =	shalt  }
0x65: {  	_ =	shalt  }
0x66: {  	_ =	shalt  }
0x67: {  	_ =	shalt  }
0x68: {  	_ =	shalt  }
0x69: {  	_ =	shalt  }
0x6a: {  	_ =	shalt  }
0x6b: {  	_ =	shalt  }
0x6c: {  	_ =	shalt  }
0x6d: {  	_ =	shalt  }
0x6e: {  	_ =	shalt  }
0x6f: {  	_ =	shalt  }
0x70: {  	_ =	shalt  }
0x71: {  	_ =	shalt  }
0x72: {  	_ =	shalt  }
0x73: {  	_ =	shalt  }
0x74: {  	_ =	shalt  }
0x75: {  	_ =	shalt  }
0x76: {  	_ =	shalt  }
0x77: {  	_ =	shalt  }
0x78: {  	_ =	shalt  }
0x79: {  	_ =	shalt  }
0x7a: {  	_ =	shalt  }
0x7b: {  	_ =	shalt  }
0x7c: {  	_ =	shalt  }
0x7d: {  	_ =	shalt  }
0x7e: {  	_ =	shalt  }
0x7f: {  	_ =	shalt  }
0x80: {  	_ =	shalt  }
0x81: {  	_ =	shalt  }
0x82: {  	_ =	shalt  }
0x83: {  	_ =	shalt  }
0x84: {  	_ =	shalt  }
0x85: {  	_ =	shalt  }
0x86: {  	_ =	shalt  }
0x87: {  	_ =	shalt  }
.Lfunc_end0:
.L_simem_size_0:
called_computation_lowered:
.L_overlay_start_0:
0x88: {  	s2 =	sld [smem:$0x3FD9]  }
0x89: {  	s3 =	sld [smem:$0x3FFE];
	_ =	sdelay $0x1  }
0x8a: {  	s1 =	srdreg.scid  }
0x8b: {  	s0 =	sand.u32 $0x1, s1  }
0x8c: {  	s17 =	sshll.u32 s0, $0xA;
	s2 =	sadd.s32 s3, s2  }
0x8d: {  	s2 =	sadd.s32 s2, s17  }
0x8e: {  	[smem:$0x3FC4] =	sst s2  }
0x8f: {  	_ = 	snop  }
0x90: {  	s2 =	sld [smem:$0x3FD0];
	(tm) =	ssettm $0x1  }
0x91: {  	s18 =	sld [smem:$0x3FFB];
	_ =	sdelay $0x3  }
0x92: {  	_ =	strace s18  }
0x93: {  	s3 =	sld [smem:$0x3FFC];
	_ =	sdelay $0x3  }
0x94: {  	_ =	strace s3  }
0x95: {  	s3 =	sld [smem:$0x3FFD];
	_ =	sdelay $0x3  }
0x96: {  	_ =	strace s3  }
0x97: {  	_ =	strace $0x8FFFFFFF  }
0x98: {  	s19 =	sld [smem:$0x3FDB];
	_ =	sdelay $0x1  }
0x99: {  	s4 =	simm.s32 $_scs_section_size  }
0x9a: {  	s5 =	simm.s32 $_size__tile_overlayer_lowered;
	s6 =	simm.s32 $_tile_overlayer_lowered  }
0x9b: {  	s22 =	simm.s32 $0x1BFF;
	s21 =	sshll.u32 s6, $0x1;
	s3 =	sadd.s32 s4, s19  }
0x9c: {  	s7 =	simm.s32 $0x0;
	s20 =	sshll.u32 s5, $0x1;
	s5 =	sadd.s32 s21, s3  }
0x9d: {  	[timem:s7], [sflag:s22] =	dma.local [hbm:s5], s20  }
0x9e: {  	_ =	swait.ge [sflag:s22], s20  }
0x9f: {  	s4 =	ssub.s32 $0x0, s20;
	[sflag:s22] =	ssyncset.done $0x0  }
0xa0: {  	[sflag:s22] =	ssyncadd.s32 s4;
	_ =	sdelay $0x1  }
0xa1: {  	s23 =	simm.s32 $0x1B8B  }
0xa2: {  	_ =	swait.ge [sflag:s23], $0x1  }
0xa3: {  	[sflag:s23] =	ssyncset.done $0x0  }
0xa4: {  	s25 =	simm.s32 $0x1B8E;
	s24 =	sld [smem:$0x3FFE];
	[sflag:s23] =	ssyncadd.s32 $0xFFFFFFFF  }
0xa5: {  	s26 =	simm.s32 $execute0_lowered;
	[smem:$0x3FD2] =	sst s25  }
0xa6: {  	s5 =	sshll.u32 s26, $0x1;
	_ =	strace $0x80000046;
	[dreg:$0x1] =	wrdreg $0xFFFFFFFF  }
0xa7: {  	s28 =	simm.s32 $_size_execute0_lowered;
	s3 =	sadd.s32 s3, s5;
	[dreg:$0x0] =	wrdreg $0x0  }
0xa8: {  	s5 =	sshll.u32 s28, $0x1;
	[dreg:$0x2] =	wrdreg s3  }
0xa9: {  	[dreg:$0x3] =	wrdreg s5  }
0xaa: {  	[dreg:$0x4] =	wrdreg $0xC0  }
0xab: {  	_ =	task [dreg:s7], $0x5FFFF  }
0xac: {  	[dreg:$0x1] =	wrdreg $0xFFFFFFFF  }
0xad: {  	[dreg:$0x0] =	wrdreg $0x60  }
0xae: {  	[dreg:$0x2] =	wrdreg s2  }
0xaf: {  	[dreg:$0x3] =	wrdreg s24  }
0xb0: {  	[dreg:$0x4] =	wrdreg $0x9  }
0xb1: {  	_ =	task.clear_ibuf [dreg:s7], $0x5FFFF;
	_ =	strace $0x90000046  }
0xb2: {  	s29 =	simm.s32 $0x9;
	_ =	strace $0x80000048  }
0xb3: {  	_ =	swait.ge [sflag:s29], $0x1  }
0xb4: {  	[sflag:s29] =	ssyncadd.s32 $0xFFFFFFFF  }
0xb5: {  	_ =	strace $0x90000048  }
0xb6: {  	_ =	sfence  }
0xb7: {  	s30 =	sld [smem:$0x0];
	_ =	sdelay $0x2  }
0xb8: {  	s31 =	sshll.u32 s1, $0xD;
	s1 =	sshrl.u32 s1, $0x2  }
0xb9: {  	s3 =	sand.u32 $0x4000, s31;
	s1 =	sadd.s32 s1, s30  }
0xba: {  	s0 =	sor.u32 s3, s0;
	s1 =	sshll.u32 s1, $0x11  }
0xbb: {  	s0 =	sor.u32 s1, s0  }
0xbc: {  	s0 =	sadd.s32 $0x8F2B, s0  }
0xbd: {  	[sflag:s0] =	ssyncadd.remote.s32 $0x1  }
0xbe: {  	_ =	sfence.sel $0xFFFF  }
0xbf: {  	[dreg:$0x0] =	wrdreg $0xFFFFFFFF;
	(pc) =	sbr.abs _section_cstart, $3  }
0xc0: {  	[dreg:$0x1] =	wrdreg $0xFFFFFFFF  }
0xc1: {  	_ =	task.clear_ibuf [dreg:s7], $0x2FFFF;
	_ =	strace $0x9FFFFFFF  }
0xc2: {  	(tm) =	ssettm $0x7FFFFFFF  }
0xc3: {  	_ =	shalt  }
tec
execute0_lowered:
.L_overlay_start_1:
0x0: {  	(tag) =	ssettag $0x1  }
0x1: {  	s1 =	srdreg.scid  }
0x2: {  	s5 =	rddreg [dreg:$0x0];
	s0 =	stileid.u32  }
0x3: {  	s7 =	rddreg [dreg:$0x1];
	s2 =	simm.s32 $0x0;
	s11 =	simm.s32 $0x13880  }
0x4: {  	s12 =	simm.s32 $0x14080;
	s13 =	simm.s32 $0x13C80;
	s14 =	simm.s32 $0x14280  }
0x5: {  	s15 =	simm.s32 $0x1;
	s16 =	simm.s32 $0x9C40;
	s4 =	sand.u32 $0x1, s1  }
0x6: {  	s17 =	simm.s32 $0x2;
	s6 =	sshll.u32 s0, $0x2;
	s3 =	sshll.u32 s4, $0x6  }
0x7: {  	s18 =	simm.s32 $0x0;
	s1 =	rddreg [dreg:$0x2];
	s3 =	sor.u32 s6, s3  }
0x8: {  	[smem:$0x7FF] =	sst s2;
	s8 =	ssub.s32 $0x2, s4;
	s6 =	smul.u32 $0x4E2, s3  }
0x9: {  	_ =	strace $0x80000047;
	s4 =	sadd.s32 $0x14400, s7;
	s10 =	sshrl.u32 s8, $0x1  }
0xa: {  	s3 =	sadd.s32 $0xA00, s7;
	s10 =	ssub.s32 s8, s10;
	s9 =	sadd.s32 s6, s7  }
0xb: {  	s5 =	sadd.s32 s5, s6;
	s6 =	sadd.s32 $0xA80, s7;
	s7 =	sadd.s32 $0x14440, s7  }
0xc: {  	v0 =	vimm.f32 $0.0e+00;
	s8 =	sadd.s32 $0x1E200, s9;
	s9 =	smax.u32 s10, $0x1;
	s10 =	simm.s32 $0x3  }
.LBB2_1:
0xd: {  	[tilespmem:s2], [sflag:$0x3] =	stream.linear.gather [hbm4b:s5+s2], $0x9C40, $0x38;
	[tilespmem:$0x14480] =	vst v63  }
0xe: {  	_ =	swait.ge [sflag:s10], $0x9C40  }
0xf: {  	[sflag:s10] =	ssyncset.done $0x0  }
0x10: {  	s20 =	simm.s32 $0x40;
	s19 =	simm.s32 $0x0;
	[sflag:s10] =	ssyncadd.s32 $0xFFFF63C0  }
.LBB2_2:
0x11: {  	p0 =	sne.s32 s20, $0x9C00;
	[tilespmem:s19+$0x11170] =	vst v0;
	s21 =	smov.u32 s20;
	s20 =	sadd.s32 $0x40, s20  }
.Ltmp0:
0x12: {  	[tilespmem:s19+$0xEA60] =	vst v0;
	(pc) =	sbr.rel @p0 .LBB2_2-.Ltmp0, $3  }
0x13: {  	[tilespmem:s19+$0x9C40] =	vst v0  }
0x14: {  	[tilespmem:s19+$0xC350] =	vst v0;
	_ =	sdelay $0x1  }
0x15: {  	s19 =	sshra.s32 s21, $0x2  }
0x16: {  	[tilespmem:s19+$0x11170] =	vst v0  }
0x17: {  	[tilespmem:s19+$0xEA60] =	vst v0  }
0x18: {  	[tilespmem:s19+$0x9C40] =	vst v0  }
0x19: {  	[tilespmem:s19+$0xC350] =	vst v0;
	s19 =	simm.s32 $0x0  }
0x1a: {  	[tilespmem:s11], [sflag:$0x1] =	stream.linear.gather [hbm4b:s3+s19], $0x400, $0x38;
	[tilespmem:$0x14480] =	vst v63  }
0x1b: {  	_ = 	snop  }
0x1c: {  	[tilespmem:s12], [sflag:$0x1] =	stream.linear.gather [hbm4b:s4+s19], $0x200, $0x38;
	[tilespmem:$0x14480] =	vst v63  }
0x1d: {  	_ = 	snop  }
0x1e: {  	[tilespmem:s13], [sflag:$0x2] =	stream.linear.gather [hbm4b:s6+s19], $0x400, $0x38;
	[tilespmem:$0x14480] =	vst v63  }
0x1f: {  	_ = 	snop  }
0x20: {  	[tilespmem:s14], [sflag:$0x2] =	stream.linear.gather [hbm4b:s7+s19], $0x200, $0x38;
	[tilespmem:$0x14480] =	vst v63  }
.LBB2_4:
0x21: {  	_ =	swait.ge [sflag:s15], $0x400  }
0x22: {  	[sflag:s15] =	ssyncset.done $0x0  }
0x23: {  	[sflag:s15] =	ssyncadd.s32 $0xFFFFFC00  }
0x24: {  	_ =	swait.ge [sflag:s15], $0x200  }
0x25: {  	[sflag:s15] =	ssyncset.done $0x0  }
0x26: {  	s20 =	simm.s32 $0x0;
	[sflag:s15] =	ssyncadd.s32 $0xFFFFFE00  }
.LBB2_5:
0x27: {  	s21 =	sshra.s32 s20, $0x2  }
0x28: {  	v1 =	vld [tilespmem:s21+$0x13A80];
	_ =	sdelay $0x4  }
0x29: {  	v2 =	vadd.s32 $0x2710, v1  }
0x2a: {  	v3 =	vadd.s32 $0x4E20, v1  }
0x2b: {  	v4 =	vld [tilespmem:s21+$0x13880];
	v5 =	vadd.s32 $0x7530, v1  }
0x2c: {  	v6 =	vld [tilespmem:s21+$0x14080]  }
0x2d: {  	v1 =	vld.idx.msk [tilespmem:v1+s2+$0x0], $0xffff  }
0x2e: {  	v2 =	vld.idx.msk [tilespmem:v2+s2+$0x0], $0xffff  }
0x2f: {  	v3 =	vld.idx.msk [tilespmem:v3+s2+$0x0], $0xffff  }
0x30: {  	v7 =	vadd.s32 $0x2710, v4;
	v5 =	vld.idx.msk [tilespmem:v5+s2+$0x0], $0xffff  }
0x31: {  	v8 =	vadd.s32 $0x4E20, v4  }
0x32: {  	v9 =	vadd.s32 $0x7530, v4;
	v1 =	vmul.f32 v1, v6  }
0x33: {  	v2 =	vmul.f32 v2, v6  }
0x34: {  	v3 =	vmul.f32 v3, v6;
	[tilespmem:v4+s16+$0x0] =	vst.idx.add.f32.msk $0xffff, v1  }
0x35: {  	v1 =	vmul.f32 v5, v6;
	[tilespmem:v7+s16+$0x0] =	vst.idx.add.f32.msk $0xffff, v2  }
0x36: {  	[tilespmem:v8+s16+$0x0] =	vst.idx.add.f32.msk $0xffff, v3  }
0x37: {  	[tilespmem:v9+s16+$0x0] =	vst.idx.add.f32.msk $0xffff, v1  }
0x38: {  	v1 =	vld [tilespmem:s21+$0x13A90];
	_ =	sdelay $0x4  }
0x39: {  	v2 =	vadd.s32 $0x2710, v1  }
0x3a: {  	v3 =	vadd.s32 $0x4E20, v1  }
0x3b: {  	v4 =	vld [tilespmem:s21+$0x13890];
	v59 =	vadd.s32 $0x7530, v1  }
0x3c: {  	v60 =	vld [tilespmem:s21+$0x14090]  }
0x3d: {  	v1 =	vld.idx.msk [tilespmem:v1+s2+$0x0], $0xffff  }
0x3e: {  	v2 =	vld.idx.msk [tilespmem:v2+s2+$0x0], $0xffff  }
0x3f: {  	v3 =	vld.idx.msk [tilespmem:v3+s2+$0x0], $0xffff  }
0x40: {  	v61 =	vadd.s32 $0x2710, v4;
	v5 =	vld.idx.msk [tilespmem:v59+s2+$0x0], $0xffff  }
0x41: {  	v62 =	vadd.s32 $0x4E20, v4  }
0x42: {  	p0 =	sne.s32 s20, $0x780;
	v63 =	vadd.s32 $0x7530, v4;
	v1 =	vmul.f32 v1, v60  }
.Ltmp1:
0x43: {  	v2 =	vmul.f32 v2, v60;
	(pc) =	sbr.rel @p0 .LBB2_5-.Ltmp1, $4  }
0x44: {  	[tilespmem:v4+s16+$0x0] =	vst.idx.add.f32.msk $0xffff, v1;
	v1 =	vmul.f32 v3, v60  }
0x45: {  	v3 =	vmul.f32 v5, v60;
	[tilespmem:v61+s16+$0x0] =	vst.idx.add.f32.msk $0xffff, v2  }
0x46: {  	[tilespmem:v62+s16+$0x0] =	vst.idx.add.f32.msk $0xffff, v1  }
0x47: {  	s20 =	sadd.s32 $0x80, s20;
	[tilespmem:v63+s16+$0x0] =	vst.idx.add.f32.msk $0xffff, v3  }
0x48: {  	s20 =	sshll.u32 s19, $0x1;
	p0 =	seq.s32 s19, $0x138  }
0x49: {  	s21 =	sadd.s32 @!p0 $0x2, s20  }
0x4a: {  	s23 =	simm.s32 @!p0 $0x0;
	s22 =	sshll.u32 @!p0 s21, $0x7  }
0x4b: {  	s24 =	simm.s32 @!p0 $0x13880;
	s21 =	sshll.u32 @!p0 s21, $0x6;
	s22 =	sadd.s32 @!p0 s3, s22  }
0x4c: {  	[tilespmem:s24], [sflag:$0x1] =	stream.linear.gather @!p0 [hbm4b:s22+s23], $0x400, $0x38;
	[tilespmem:$0x14480] =	vst v63  }
0x4d: {  	s21 =	sadd.s32 @!p0 s4, s21;
	s22 =	simm.s32 @!p0 $0x14080  }
0x4e: {  	[tilespmem:s22], [sflag:$0x1] =	stream.linear.gather @!p0 [hbm4b:s21+s23], $0x200, $0x38;
	[tilespmem:$0x14480] =	vst v63  }
0x4f: {  	_ =	swait.ge [sflag:s17], $0x400  }
0x50: {  	[sflag:s17] =	ssyncset.done $0x0  }
0x51: {  	[sflag:s17] =	ssyncadd.s32 $0xFFFFFC00  }
0x52: {  	_ =	swait.ge [sflag:s17], $0x200  }
0x53: {  	[sflag:s17] =	ssyncset.done $0x0  }
0x54: {  	s21 =	simm.s32 $0x0;
	[sflag:s17] =	ssyncadd.s32 $0xFFFFFE00  }
.LBB2_7:
0x55: {  	s22 =	sshra.s32 s21, $0x2  }
0x56: {  	v1 =	vld [tilespmem:s22+$0x13E80];
	_ =	sdelay $0x4  }
0x57: {  	v2 =	vadd.s32 $0x2710, v1  }
0x58: {  	v3 =	vadd.s32 $0x4E20, v1  }
0x59: {  	v4 =	vld [tilespmem:s22+$0x13C80];
	v5 =	vadd.s32 $0x7530, v1  }
0x5a: {  	v6 =	vld [tilespmem:s22+$0x14280]  }
0x5b: {  	v1 =	vld.idx.msk [tilespmem:v1+s2+$0x0], $0xffff  }
0x5c: {  	v2 =	vld.idx.msk [tilespmem:v2+s2+$0x0], $0xffff  }
0x5d: {  	v3 =	vld.idx.msk [tilespmem:v3+s2+$0x0], $0xffff  }
0x5e: {  	v7 =	vadd.s32 $0x2710, v4;
	v5 =	vld.idx.msk [tilespmem:v5+s2+$0x0], $0xffff  }
0x5f: {  	v8 =	vadd.s32 $0x4E20, v4  }
0x60: {  	v9 =	vadd.s32 $0x7530, v4;
	v1 =	vmul.f32 v1, v6  }
0x61: {  	v2 =	vmul.f32 v2, v6  }
0x62: {  	v3 =	vmul.f32 v3, v6;
	[tilespmem:v4+s16+$0x0] =	vst.idx.add.f32.msk $0xffff, v1  }
0x63: {  	v1 =	vmul.f32 v5, v6;
	[tilespmem:v7+s16+$0x0] =	vst.idx.add.f32.msk $0xffff, v2  }
0x64: {  	[tilespmem:v8+s16+$0x0] =	vst.idx.add.f32.msk $0xffff, v3  }
0x65: {  	[tilespmem:v9+s16+$0x0] =	vst.idx.add.f32.msk $0xffff, v1  }
0x66: {  	v1 =	vld [tilespmem:s22+$0x13E90];
	_ =	sdelay $0x4  }
0x67: {  	v2 =	vadd.s32 $0x2710, v1  }
0x68: {  	v3 =	vadd.s32 $0x4E20, v1  }
0x69: {  	v4 =	vld [tilespmem:s22+$0x13C90];
	v59 =	vadd.s32 $0x7530, v1  }
0x6a: {  	v60 =	vld [tilespmem:s22+$0x14290]  }
0x6b: {  	v1 =	vld.idx.msk [tilespmem:v1+s2+$0x0], $0xffff  }
0x6c: {  	v2 =	vld.idx.msk [tilespmem:v2+s2+$0x0], $0xffff  }
0x6d: {  	v3 =	vld.idx.msk [tilespmem:v3+s2+$0x0], $0xffff  }
0x6e: {  	v61 =	vadd.s32 $0x2710, v4;
	v5 =	vld.idx.msk [tilespmem:v59+s2+$0x0], $0xffff  }
0x6f: {  	v62 =	vadd.s32 $0x4E20, v4  }
0x70: {  	p1 =	sne.s32 s21, $0x780;
	v63 =	vadd.s32 $0x7530, v4;
	v1 =	vmul.f32 v1, v60  }
.Ltmp2:
0x71: {  	v2 =	vmul.f32 v2, v60;
	(pc) =	sbr.rel @p1 .LBB2_7-.Ltmp2, $4  }
0x72: {  	[tilespmem:v4+s16+$0x0] =	vst.idx.add.f32.msk $0xffff, v1;
	v1 =	vmul.f32 v3, v60  }
0x73: {  	v3 =	vmul.f32 v5, v60;
	[tilespmem:v61+s16+$0x0] =	vst.idx.add.f32.msk $0xffff, v2  }
0x74: {  	[tilespmem:v62+s16+$0x0] =	vst.idx.add.f32.msk $0xffff, v1  }
0x75: {  	s21 =	sadd.s32 $0x80, s21;
	[tilespmem:v63+s16+$0x0] =	vst.idx.add.f32.msk $0xffff, v3  }
.Ltmp3:
0x76: {  	(pc) =	sbr.rel @p0 .LBB2_10-.Ltmp3, $1  }
0x77: {  	_ =	sdelay $0x3  }
0x78: {  	s20 =	sadd.s32 $0x3, s20  }
.Ltmp4:
0x79: {  	s21 =	sshll.u32 s20, $0x7;
	(pc) =	sbr.rel .LBB2_4-.Ltmp4, $4  }
0x7a: {  	s20 =	sshll.u32 s20, $0x6;
	s21 =	sadd.s32 s3, s21  }
0x7b: {  	[tilespmem:s13], [sflag:$0x2] =	stream.linear.gather [hbm4b:s21+s2], $0x400, $0x38;
	[tilespmem:$0x14480] =	vst v63  }
0x7c: {  	s19 =	sadd.s32 $0x1, s19;
	s20 =	sadd.s32 s4, s20  }
0x7d: {  	[tilespmem:s14], [sflag:$0x2] =	stream.linear.gather [hbm4b:s20+s2], $0x200, $0x38;
	[tilespmem:$0x14480] =	vst v63  }
.LBB2_10:
0x7e: {  	s19 =	simm.s32 $0x0  }
0x7f: {  	v3 =	vld [tilespmem:s19+$0x9C40]  }
0x80: {  	v2 =	vld [tilespmem:s19+$0xC350]  }
0x81: {  	s20 =	simm.s32 $0x40;
	v1 =	vld [tilespmem:s19+$0xEA60]  }
.LBB2_11:
0x82: {  	p0 =	sne.s32 s20, $0x9C00;
	v4 =	vld [tilespmem:s19+$0x11170];
	_ =	sdelay $0x1  }
.Ltmp5:
0x83: {  	v3 =	vmax.f32 v3, $0.0e+00;
	(pc) =	sbr.rel @p0 .LBB2_11-.Ltmp5, $4  }
0x84: {  	s21 =	sshra.s32 s20, $0x2;
	[tilespmem:s19+$0x9C40] =	vst v3;
	v2 =	vmax.f32 v2, $0.0e+00  }
0x85: {  	v3 =	vld [tilespmem:s21+$0x9C40];
	[tilespmem:s19+$0xC350] =	vst v2;
	v1 =	vmax.f32 v1, $0.0e+00  }
0x86: {  	v2 =	vld [tilespmem:s21+$0xC350];
	[tilespmem:s19+$0xEA60] =	vst v1;
	v4 =	vmax.f32 v4, $0.0e+00  }
0x87: {  	s20 =	sadd.s32 $0x40, s20;
	v1 =	vld [tilespmem:s21+$0xEA60];
	[tilespmem:s19+$0x11170] =	vst v4;
	s19 =	smov.u32 s21  }
0x88: {  	v4 =	vld [tilespmem:s19+$0x11170];
	_ =	sdelay $0x1  }
0x89: {  	v3 =	vmax.f32 v3, $0.0e+00  }
0x8a: {  	[tilespmem:s19+$0x9C40] =	vst v3;
	v2 =	vmax.f32 v2, $0.0e+00  }
0x8b: {  	s18 =	sadd.s32 $0x1, s18;
	[tilespmem:s19+$0xC350] =	vst v2;
	v1 =	vmax.f32 v1, $0.0e+00  }
0x8c: {  	p0 =	sne.s32 s18, s9;
	[tilespmem:s19+$0xEA60] =	vst v1;
	v1 =	vmax.f32 v4, $0.0e+00  }
.Ltmp6:
0x8d: {  	[tilespmem:s19+$0x11170] =	vst v1;
	(pc) =	sbr.rel @p0 .LBB2_1-.Ltmp6, $4  }
0x8e: {  	[hbm4b:s8+s2] =	stream.linear.scatter [tilespmem:s16], [sflag:$0x3], $0x9C40, $0x38;
	[tilespmem:$0x14480] =	vst v63  }
0x8f: {  	_ =	swait.ge [sflag:s10], $0x9C40  }
0x90: {  	[sflag:s10] =	ssyncset.done $0x0  }
0x91: {  	[sflag:s10] =	ssyncadd.s32 $0xFFFF63C0  }
0x92: {  	_ =	sfence.sel $0x180000  }
0x93: {  	[bflag:$0x0] =	sbarrier.arrive $0xFFFF  }
0x94: {  	p0 =	sne.s32 s0, $0x0;
	_ =	strace $0x90000047  }
0x95: {  	s0 =	sadd.s32 @!p0 $0x100000, s1;
	[bflag:$0x2] =	sbarrier.arrive $0xFFFF  }
0x96: {  	[sflag:s0] =	ssyncadd.tile.s32 @!p0 $0x1;
	_ =	shalt  }
.Lfunc_end2:
_tile_overlayer_lowered:
.L_overlay_start_2:
0x97: {  	(tag) =	ssettag $0x2  }
0x98: {  	s0 =	rddreg [dreg:$0x0];
	s2 =	stileid.u32  }
0x99: {  	s1 =	rddreg [dreg:$0x1];
	p0 =	sne.s32 s2, $0x0  }
0x9a: {  	s3 =	rddreg [dreg:$0x2];
	[bflag:$0x3] =	sbarrier.arrive $0xFFFF;
	s2 =	simm.s32 @!p0 $0x1C03  }
0x9b: {  	[timem:s3], [sflag:s2] =	dma.local @!p0 [hbm:s0], s1  }
0x9c: {  	s0 =	simm.s32 @!p0 $0x3  }
0x9d: {  	_ =	swait.ge @!p0 [sflag:s0], s1  }
0x9e: {  	s1 =	ssub.s32 @!p0 $0x0, s1;
	[sflag:s0] =	ssyncset.done @!p0 $0x0  }
0x9f: {  	[sflag:s0] =	ssyncadd.s32 @!p0 s1  }
0xa0: {  	[bflag:$0x3] =	sbarrier.arrive $0xFFFF  }
0xa1: {  	_ =	shalt  }

</sc_bundles>
